<compile_context>
chip_gen: v7x
topology: tpu7x:2x2x1
jax: 0.10.2.dev20260603
libtpu: 0.0.44.dev20260713+nightly
codegen_flags: <defaults>
</compile_context>

<pallas_src>
import functools

import jax
import jax.numpy as jnp
import numpy as np
from jax import lax
from jax.experimental import pallas as pl
from jax.experimental.pallas import tpu as pltpu
from jax.experimental.pallas import tpu_sc as plsc

THETA_RES = 16
PHI_RES = 8
MAX_SCALE_LOG = 0.3
N = 16777216

NC = 2
NS = 16
NW = NC * NS
B_PER_W = N // NW
CHUNK = 8192
NCHUNK = B_PER_W // CHUNK
LANES = 16
NBUF = 4

TAB_STRIDE = PHI_RES + 1
TAB_ROWS = THETA_RES + 1
TAB_PAD = 160

C_T = np.float32(np.float64(THETA_RES) / (2.0 * np.pi))
C_P = np.float32(np.float64(PHI_RES) / np.pi)


def _sc_body(theta_hbm, phi_hbm, grid_hbm, out_hbm,
             tbuf0, tbuf1, tbuf2, tbuf3,
             pbuf0, pbuf1, pbuf2, pbuf3,
             obuf0, obuf1, obuf2, obuf3,
             gbuf, table,
             lsem0, lsem1, lsem2, lsem3,
             osem0, osem1, osem2, osem3):
    wid = lax.axis_index("s") * NC + lax.axis_index("c")
    base = wid * B_PER_W
    tbufs = (tbuf0, tbuf1, tbuf2, tbuf3)
    pbufs = (pbuf0, pbuf1, pbuf2, pbuf3)
    obufs = (obuf0, obuf1, obuf2, obuf3)
    lsems = (lsem0, lsem1, lsem2, lsem3)
    osems = (osem0, osem1, osem2, osem3)

    pltpu.sync_copy(grid_hbm, gbuf)

    @pl.loop(0, TAB_PAD // LANES)
    def _table(v):
        e = lax.iota(jnp.int32, LANES) + v * LANES
        r = e // TAB_STRIDE
        c = e - r * TAB_STRIDE
        src = (jnp.minimum(r, THETA_RES - 1) * PHI_RES
               + jnp.minimum(c, PHI_RES - 1))
        g = plsc.load_gather(gbuf, [src])
        table[pl.ds(v * LANES, LANES)] = jnp.exp(
            jnp.clip(g, -MAX_SCALE_LOG, MAX_SCALE_LOG))

    def start_load(g, b):
        off = base + g * CHUNK
        pltpu.async_copy(theta_hbm.at[pl.ds(off, CHUNK)], tbufs[b], lsems[b])
        pltpu.async_copy(phi_hbm.at[pl.ds(off, CHUNK)], pbufs[b], lsems[b])

    def wait_load(b):
        pltpu.make_async_copy(
            theta_hbm.at[pl.ds(0, CHUNK)], tbufs[b], lsems[b]).wait()
        pltpu.make_async_copy(
            phi_hbm.at[pl.ds(0, CHUNK)], pbufs[b], lsems[b]).wait()

    def start_store(g, b):
        off = base + g * CHUNK
        pltpu.async_copy(obufs[b], out_hbm.at[pl.ds(off, CHUNK)], osems[b])

    def wait_store(b):
        pltpu.make_async_copy(
            obufs[b], out_hbm.at[pl.ds(0, CHUNK)], osems[b]).wait()

    for b in range(NBUF):
        start_load(b, b)

    @pl.loop(0, NCHUNK // NBUF)
    def _step(s):
        for b in range(NBUF):
            g = s * NBUF + b
            wait_load(b)

            @pl.when(s > 0)
            def _():
                wait_store(b)

            tb = tbufs[b]
            pb = pbufs[b]
            ob = obufs[b]

            @plsc.parallel_loop(0, CHUNK // LANES, unroll=16)
            def _vec(i):
                sl = pl.ds(i * LANES, LANES)
                ti = (tb[sl] * C_T).astype(jnp.int32)
                pi = (pb[sl] * C_P).astype(jnp.int32)
                idx = ti * TAB_STRIDE + pi
                ob[sl] = plsc.load_gather(table, [idx])

            start_store(g, b)

            @pl.when(g + NBUF < NCHUNK)
            def _():
                start_load(g + NBUF, b)

    for b in range(NBUF):
        wait_store(b)


@jax.jit
def _sc_call(theta, phi, gridp):
    mesh = plsc.VectorSubcoreMesh(core_axis_name="c", subcore_axis_name="s")
    return pl.kernel(
        _sc_body,
        out_type=jax.ShapeDtypeStruct((N,), jnp.float32),
        mesh=mesh,
        scratch_types=(
            [pltpu.VMEM((CHUNK,), jnp.float32)] * 12
            + [pltpu.VMEM((THETA_RES * PHI_RES,), jnp.float32)]
            + [pltpu.VMEM((TAB_PAD,), jnp.float32)]
            + [pltpu.SemaphoreType.DMA] * 8
        ),
        compiler_params=pltpu.CompilerParams(needs_layout_passes=False),
    )(theta, phi, gridp)


def kernel(theta, phi, grid):
    return _sc_call(theta, phi, grid.reshape(-1))

# --- scband reference (transcript-rebuilt; emitter-appended) ---
"""Pipeline reference for scband-bspline-grid-scale-31860067401784 (READ-ONLY COPY).

The authoritative reference and input builder live on the scoring server;
editing this copy changes nothing except your own understanding.
"""

import jax, jax.numpy as jnp
import numpy as np

THETA_RES = 16
PHI_RES = 8
MAX_SCALE_LOG = 0.3
N = 16777216


def setup_inputs(seed: int = 0) -> dict:
    key = jax.random.key(seed)
    k1, k2, k3 = jax.random.split(key, 3)
    # theta in [0, 2*pi), phi in [0, pi) -- scaled uniforms to cover the full grid
    theta = jax.random.uniform(k1, (N,), dtype=jnp.float32) * (2.0 * np.pi)
    phi = jax.random.uniform(k2, (N,), dtype=jnp.float32) * np.pi
    # learned B-spline grid parameter (nn.Parameter in torch, init ~ small values)
    grid = jax.random.normal(k3, (THETA_RES, PHI_RES), dtype=jnp.float32) * 0.1
    return {"theta": theta, "phi": phi, "grid": grid}


def reference(theta, phi, grid):
    theta_norm = theta / (2.0 * np.pi) * THETA_RES
    phi_norm = phi / np.pi * PHI_RES
    theta_idx = jnp.clip(jnp.floor(theta_norm), 0, THETA_RES - 1).astype(jnp.int32)
    phi_idx = jnp.clip(jnp.floor(phi_norm), 0, PHI_RES - 1).astype(jnp.int32)
    # gather from the tiny grid with a huge index stream
    scale_log = grid[theta_idx, phi_idx]
    scale_log = jnp.clip(scale_log, -MAX_SCALE_LOG, MAX_SCALE_LOG)
    scale = jnp.exp(scale_log)
    return scale

if __name__ == "__main__":
    import jax
    _d = setup_inputs()
    print(jax.jit(kernel)(*tuple(_d.values())))

</pallas_src>

<mosaic_0001>
#map = affine_map<(d0, d1) -> (0)>
module attributes {stable_mosaic.version = 14 : i64} {
  func.func @_sc_body(%arg0: i32, %arg1: i32, %arg2: memref<16777216xf32, #tpu.memory_space<hbm>>, %arg3: memref<16777216xf32, #tpu.memory_space<hbm>>, %arg4: memref<128xf32, #tpu.memory_space<hbm>>, %arg5: memref<16777216xf32, #tpu.memory_space<hbm>>, %arg6: memref<8192xf32, #tpu.memory_space<vmem>>, %arg7: memref<8192xf32, #tpu.memory_space<vmem>>, %arg8: memref<8192xf32, #tpu.memory_space<vmem>>, %arg9: memref<8192xf32, #tpu.memory_space<vmem>>, %arg10: memref<8192xf32, #tpu.memory_space<vmem>>, %arg11: memref<8192xf32, #tpu.memory_space<vmem>>, %arg12: memref<8192xf32, #tpu.memory_space<vmem>>, %arg13: memref<8192xf32, #tpu.memory_space<vmem>>, %arg14: memref<8192xf32, #tpu.memory_space<vmem>>, %arg15: memref<8192xf32, #tpu.memory_space<vmem>>, %arg16: memref<8192xf32, #tpu.memory_space<vmem>>, %arg17: memref<8192xf32, #tpu.memory_space<vmem>>, %arg18: memref<128xf32, #tpu.memory_space<vmem>>, %arg19: memref<160xf32, #tpu.memory_space<vmem>>, %arg20: memref<!tpu.dma_semaphore, #tpu.memory_space<semaphore_mem>>, %arg21: memref<!tpu.dma_semaphore, #tpu.memory_space<semaphore_mem>>, %arg22: memref<!tpu.dma_semaphore, #tpu.memory_space<semaphore_mem>>, %arg23: memref<!tpu.dma_semaphore, #tpu.memory_space<semaphore_mem>>, %arg24: memref<!tpu.dma_semaphore, #tpu.memory_space<semaphore_mem>>, %arg25: memref<!tpu.dma_semaphore, #tpu.memory_space<semaphore_mem>>, %arg26: memref<!tpu.dma_semaphore, #tpu.memory_space<semaphore_mem>>, %arg27: memref<!tpu.dma_semaphore, #tpu.memory_space<semaphore_mem>>) attributes {dimension_semantics = [#tpu.dimension_semantics<core_parallel>, #tpu.dimension_semantics<subcore_parallel>], iteration_bounds = array<i64: 2, 16>, scalar_prefetch = 0 : i64, scratch_operands = 22 : i64, tpu.core_type = #tpu.core_type<sc_vector_subcore>, window_params = [{transform_indices = #map}, {transform_indices = #map}, {transform_indices = #map}, {transform_indices = #map}]} {
    %mul3A = arith.constant 2 : i32
    %mul3A_0 = arith.muli %arg1, %mul3A : i32
    %add3A = arith.addi %mul3A_0, %arg0 : i32
    %mul3A_1 = arith.constant 524288 : i32
    %mul3A_2 = arith.muli %add3A, %mul3A_1 : i32
    "tpu.region"() ({
      %run_scoped3A = tpu.sem_alloc : memref<!tpu.dma_semaphore, #tpu.memory_space<semaphore_mem>>
      tpu.enqueue_dma source(%arg4 : memref<128xf32, #tpu.memory_space<hbm>>) target(%arg18 : memref<128xf32, #tpu.memory_space<vmem>>) target_semaphore(%run_scoped3A : memref<!tpu.dma_semaphore, #tpu.memory_space<semaphore_mem>>)
      tpu.wait_dma2 semaphore(%run_scoped3A : memref<!tpu.dma_semaphore, #tpu.memory_space<semaphore_mem>>) src(%arg4 : memref<128xf32, #tpu.memory_space<hbm>>) dst(%arg18 : memref<128xf32, #tpu.memory_space<vmem>>)
      tpu.yield
    }) : () -> ()
    %scan3A = arith.constant 0 : i32
    %scan3A_3 = arith.constant 10 : i32
    %scan3A_4 = arith.addi %scan3A, %scan3A_3 : i32
    %scan3A_5 = arith.constant 1 : i32
    scf.for %scan3A_50 = %scan3A to %scan3A_4 step %scan3A_5  : i32 {
      %mul3A_51 = arith.constant 1 : i32
      %mul3A_52 = arith.muli %scan3A_50, %mul3A_51 : i32
      %add3A_53 = arith.constant 0 : i32
      %add3A_54 = arith.addi %add3A_53, %mul3A_52 : i32
      %iota3A = tpu.iota {dimensions = array<i32: 0>} : vector<16xi32>
      %mul3A_55 = arith.constant 16 : i32
      %mul3A_56 = arith.muli %add3A_54, %mul3A_55 : i32
      %add3A_57 = vector.broadcast %mul3A_56 : i32 to vector<16xi32>
      %add3A_58 = arith.addi %iota3A, %add3A_57 : vector<16xi32>
      %jit3A = arith.constant 9 : i32
      %div3A = vector.broadcast %jit3A : i32 to vector<16xi32>
      %div3A_59 = arith.divsi %add3A_58, %div3A : vector<16xi32>
      %sign3A = arith.constant 0 : i32
      %sign3A_60 = vector.broadcast %sign3A : i32 to vector<16xi32>
      %sign3A_61 = arith.cmpi sgt, %add3A_58, %sign3A_60 : vector<16xi32>
      %sign3A_62 = arith.extui %sign3A_61 : vector<16xi1> to vector<16xi32>
      %sign3A_63 = arith.constant 0 : i32
      %sign3A_64 = vector.broadcast %sign3A_63 : i32 to vector<16xi32>
      %sign3A_65 = arith.cmpi slt, %add3A_58, %sign3A_64 : vector<16xi32>
      %sign3A_66 = arith.extui %sign3A_65 : vector<16xi1> to vector<16xi32>
      %sign3A_67 = arith.subi %sign3A_62, %sign3A_66 : vector<16xi32>
      %sign3A_68 = arith.constant 0 : i32
      %sign3A_69 = arith.cmpi sgt, %jit3A, %sign3A_68 : i32
      %sign3A_70 = arith.extui %sign3A_69 : i1 to i32
      %sign3A_71 = arith.constant 0 : i32
      %sign3A_72 = arith.cmpi slt, %jit3A, %sign3A_71 : i32
      %sign3A_73 = arith.extui %sign3A_72 : i1 to i32
      %sign3A_74 = arith.subi %sign3A_70, %sign3A_73 : i32
      %ne3A = vector.broadcast %sign3A_74 : i32 to vector<16xi32>
      %ne3A_75 = arith.cmpi ne, %sign3A_67, %ne3A : vector<16xi32>
      %rem3A = vector.broadcast %jit3A : i32 to vector<16xi32>
      %rem3A_76 = arith.remsi %add3A_58, %rem3A : vector<16xi32>
      %ne3A_77 = arith.constant 0 : i32
      %ne3A_78 = vector.broadcast %ne3A_77 : i32 to vector<16xi32>
      %ne3A_79 = arith.cmpi ne, %rem3A_76, %ne3A_78 : vector<16xi32>
      %and3A = arith.andi %ne3A_75, %ne3A_79 : vector<16xi1>
      %sub3A = arith.constant 1 : i32
      %sub3A_80 = vector.broadcast %sub3A : i32 to vector<16xi32>
      %sub3A_81 = arith.subi %div3A_59, %sub3A_80 : vector<16xi32>
      %select_n3A = arith.select %and3A, %sub3A_81, %div3A_59 : vector<16xi1>, vector<16xi32>
      %mul3A_82 = arith.constant 9 : i32
      %mul3A_83 = vector.broadcast %mul3A_82 : i32 to vector<16xi32>
      %mul3A_84 = arith.muli %select_n3A, %mul3A_83 : vector<16xi32>
      %sub3A_85 = arith.subi %add3A_58, %mul3A_84 : vector<16xi32>
      %min3A = arith.constant 15 : i32
      %min3A_86 = vector.broadcast %min3A : i32 to vector<16xi32>
      %min3A_87 = arith.minsi %select_n3A, %min3A_86 : vector<16xi32>
      %mul3A_88 = arith.constant 8 : i32
      %mul3A_89 = vector.broadcast %mul3A_88 : i32 to vector<16xi32>
      %mul3A_90 = arith.muli %min3A_87, %mul3A_89 : vector<16xi32>
      %min3A_91 = arith.constant 7 : i32
      %min3A_92 = vector.broadcast %min3A_91 : i32 to vector<16xi32>
      %min3A_93 = arith.minsi %sub3A_85, %min3A_92 : vector<16xi32>
      %add3A_94 = arith.addi %mul3A_90, %min3A_93 : vector<16xi32>
      %gather3A = tpu.vector_load_idx %arg18[%add3A_94] : memref<128xf32, #tpu.memory_space<vmem>>[vector<16xi32>], vector<16xf32>,
      %jit3A_95 = arith.constant -3.000000e-01 : f32
      %jit3A_96 = arith.constant 3.000000e-01 : f32
      %max3A = vector.broadcast %jit3A_95 : f32 to vector<16xf32>
      %max3A_97 = arith.maximumf %max3A, %gather3A : vector<16xf32>
      %min3A_98 = vector.broadcast %jit3A_96 : f32 to vector<16xf32>
      %min3A_99 = arith.minimumf %min3A_98, %max3A_97 : vector<16xf32>
      %exp3A = math.exp %min3A_99 : vector<16xf32>
      %mul3A_100 = arith.constant 16 : i32
      %mul3A_101 = arith.muli %add3A_54, %mul3A_100 : i32
      %swap3A = arith.index_cast %mul3A_101 : i32 to index
      %swap3A_102 = tpu.vector_load %arg19[%swap3A] {strides = array<i32>} : memref<160xf32, #tpu.memory_space<vmem>>, vector<16xf32>,
      tpu.vector_store %arg19[%swap3A], %exp3A {strides = array<i32>} : memref<160xf32, #tpu.memory_space<vmem>>, vector<16xf32>,
    }
    %scan3A_6 = arith.constant 10 : i32
    %add3A_7 = arith.constant 0 : i32
    %add3A_8 = arith.addi %mul3A_2, %add3A_7 : i32
    %dma_start3A = tpu.memref_slice %arg2[%add3A_8] : memref<16777216xf32, #tpu.memory_space<hbm>> -> memref<8192xf32, #tpu.memory_space<hbm>>
    %dma_start3A_9 = tpu.memref_slice %arg2[%add3A_8] : memref<16777216xf32, #tpu.memory_space<hbm>> -> memref<8192xf32, #tpu.memory_space<hbm>>
    tpu.enqueue_dma source(%dma_start3A_9 : memref<8192xf32, #tpu.memory_space<hbm>>) target(%arg6 : memref<8192xf32, #tpu.memory_space<vmem>>) target_semaphore(%arg20 : memref<!tpu.dma_semaphore, #tpu.memory_space<semaphore_mem>>)
    %dma_start3A_10 = tpu.memref_slice %arg3[%add3A_8] : memref<16777216xf32, #tpu.memory_space<hbm>> -> memref<8192xf32, #tpu.memory_space<hbm>>
    %dma_start3A_11 = tpu.memref_slice %arg3[%add3A_8] : memref<16777216xf32, #tpu.memory_space<hbm>> -> memref<8192xf32, #tpu.memory_space<hbm>>
    tpu.enqueue_dma source(%dma_start3A_11 : memref<8192xf32, #tpu.memory_space<hbm>>) target(%arg10 : memref<8192xf32, #tpu.memory_space<vmem>>) target_semaphore(%arg20 : memref<!tpu.dma_semaphore, #tpu.memory_space<semaphore_mem>>)
    %add3A_12 = arith.constant 8192 : i32
    %add3A_13 = arith.addi %mul3A_2, %add3A_12 : i32
    %dma_start3A_14 = tpu.memref_slice %arg2[%add3A_13] : memref<16777216xf32, #tpu.memory_space<hbm>> -> memref<8192xf32, #tpu.memory_space<hbm>>
    %dma_start3A_15 = tpu.memref_slice %arg2[%add3A_13] : memref<16777216xf32, #tpu.memory_space<hbm>> -> memref<8192xf32, #tpu.memory_space<hbm>>
    tpu.enqueue_dma source(%dma_start3A_15 : memref<8192xf32, #tpu.memory_space<hbm>>) target(%arg7 : memref<8192xf32, #tpu.memory_space<vmem>>) target_semaphore(%arg21 : memref<!tpu.dma_semaphore, #tpu.memory_space<semaphore_mem>>)
    %dma_start3A_16 = tpu.memref_slice %arg3[%add3A_13] : memref<16777216xf32, #tpu.memory_space<hbm>> -> memref<8192xf32, #tpu.memory_space<hbm>>
    %dma_start3A_17 = tpu.memref_slice %arg3[%add3A_13] : memref<16777216xf32, #tpu.memory_space<hbm>> -> memref<8192xf32, #tpu.memory_space<hbm>>
    tpu.enqueue_dma source(%dma_start3A_17 : memref<8192xf32, #tpu.memory_space<hbm>>) target(%arg11 : memref<8192xf32, #tpu.memory_space<vmem>>) target_semaphore(%arg21 : memref<!tpu.dma_semaphore, #tpu.memory_space<semaphore_mem>>)
    %add3A_18 = arith.constant 16384 : i32
    %add3A_19 = arith.addi %mul3A_2, %add3A_18 : i32
    %dma_start3A_20 = tpu.memref_slice %arg2[%add3A_19] : memref<16777216xf32, #tpu.memory_space<hbm>> -> memref<8192xf32, #tpu.memory_space<hbm>>
    %dma_start3A_21 = tpu.memref_slice %arg2[%add3A_19] : memref<16777216xf32, #tpu.memory_space<hbm>> -> memref<8192xf32, #tpu.memory_space<hbm>>
    tpu.enqueue_dma source(%dma_start3A_21 : memref<8192xf32, #tpu.memory_space<hbm>>) target(%arg8 : memref<8192xf32, #tpu.memory_space<vmem>>) target_semaphore(%arg22 : memref<!tpu.dma_semaphore, #tpu.memory_space<semaphore_mem>>)
    %dma_start3A_22 = tpu.memref_slice %arg3[%add3A_19] : memref<16777216xf32, #tpu.memory_space<hbm>> -> memref<8192xf32, #tpu.memory_space<hbm>>
    %dma_start3A_23 = tpu.memref_slice %arg3[%add3A_19] : memref<16777216xf32, #tpu.memory_space<hbm>> -> memref<8192xf32, #tpu.memory_space<hbm>>
    tpu.enqueue_dma source(%dma_start3A_23 : memref<8192xf32, #tpu.memory_space<hbm>>) target(%arg12 : memref<8192xf32, #tpu.memory_space<vmem>>) target_semaphore(%arg22 : memref<!tpu.dma_semaphore, #tpu.memory_space<semaphore_mem>>)
    %add3A_24 = arith.constant 24576 : i32
    %add3A_25 = arith.addi %mul3A_2, %add3A_24 : i32
    %dma_start3A_26 = tpu.memref_slice %arg2[%add3A_25] : memref<16777216xf32, #tpu.memory_space<hbm>> -> memref<8192xf32, #tpu.memory_space<hbm>>
    %dma_start3A_27 = tpu.memref_slice %arg2[%add3A_25] : memref<16777216xf32, #tpu.memory_space<hbm>> -> memref<8192xf32, #tpu.memory_space<hbm>>
    tpu.enqueue_dma source(%dma_start3A_27 : memref<8192xf32, #tpu.memory_space<hbm>>) target(%arg9 : memref<8192xf32, #tpu.memory_space<vmem>>) target_semaphore(%arg23 : memref<!tpu.dma_semaphore, #tpu.memory_space<semaphore_mem>>)
    %dma_start3A_28 = tpu.memref_slice %arg3[%add3A_25] : memref<16777216xf32, #tpu.memory_space<hbm>> -> memref<8192xf32, #tpu.memory_space<hbm>>
    %dma_start3A_29 = tpu.memref_slice %arg3[%add3A_25] : memref<16777216xf32, #tpu.memory_space<hbm>> -> memref<8192xf32, #tpu.memory_space<hbm>>
    tpu.enqueue_dma source(%dma_start3A_29 : memref<8192xf32, #tpu.memory_space<hbm>>) target(%arg13 : memref<8192xf32, #tpu.memory_space<vmem>>) target_semaphore(%arg23 : memref<!tpu.dma_semaphore, #tpu.memory_space<semaphore_mem>>)
    %scan3A_30 = arith.constant 0 : i32
    %scan3A_31 = arith.constant 16 : i32
    %scan3A_32 = arith.addi %scan3A_30, %scan3A_31 : i32
    %scan3A_33 = arith.constant 1 : i32
    scf.for %scan3A_50 = %scan3A_30 to %scan3A_32 step %scan3A_33  : i32 {
      %mul3A_51 = arith.constant 1 : i32
      %mul3A_52 = arith.muli %scan3A_50, %mul3A_51 : i32
      %add3A_53 = arith.constant 0 : i32
      %add3A_54 = arith.addi %add3A_53, %mul3A_52 : i32
      %mul3A_55 = arith.constant 4 : i32
      %mul3A_56 = arith.muli %add3A_54, %mul3A_55 : i32
      %add3A_57 = arith.constant 0 : i32
      %add3A_58 = arith.addi %mul3A_56, %add3A_57 : i32
      %dma_wait3A_59 = arith.constant 0 : i32
      %dma_wait3A_60 = tpu.memref_slice %arg2[%dma_wait3A_59] : memref<16777216xf32, #tpu.memory_space<hbm>> -> memref<8192xf32, #tpu.memory_space<hbm>>
      %dma_wait3A_61 = arith.constant 0 : i32
      %dma_wait3A_62 = tpu.memref_slice %arg2[%dma_wait3A_61] : memref<16777216xf32, #tpu.memory_space<hbm>> -> memref<8192xf32, #tpu.memory_space<hbm>>
      tpu.wait_dma2 semaphore(%arg20 : memref<!tpu.dma_semaphore, #tpu.memory_space<semaphore_mem>>) src(%dma_wait3A_62 : memref<8192xf32, #tpu.memory_space<hbm>>) dst(%arg6 : memref<8192xf32, #tpu.memory_space<vmem>>)
      %dma_wait3A_63 = arith.constant 0 : i32
      %dma_wait3A_64 = tpu.memref_slice %arg3[%dma_wait3A_63] : memref<16777216xf32, #tpu.memory_space<hbm>> -> memref<8192xf32, #tpu.memory_space<hbm>>
      %dma_wait3A_65 = arith.constant 0 : i32
      %dma_wait3A_66 = tpu.memref_slice %arg3[%dma_wait3A_65] : memref<16777216xf32, #tpu.memory_space<hbm>> -> memref<8192xf32, #tpu.memory_space<hbm>>
      tpu.wait_dma2 semaphore(%arg20 : memref<!tpu.dma_semaphore, #tpu.memory_space<semaphore_mem>>) src(%dma_wait3A_66 : memref<8192xf32, #tpu.memory_space<hbm>>) dst(%arg10 : memref<8192xf32, #tpu.memory_space<vmem>>)
      %gt3A = arith.constant 0 : i32
      %gt3A_67 = arith.cmpi sgt, %add3A_54, %gt3A : i32
      %convert_element_type3A = arith.extui %gt3A_67 : i1 to i32
      %cond3A = arith.constant 0 : i32
      %cond3A_68 = arith.cmpi ne, %convert_element_type3A, %cond3A : i32
      scf.if %cond3A_68 {
        %dma_wait3A_178 = arith.constant 0 : i32
        %dma_wait3A_179 = tpu.memref_slice %arg5[%dma_wait3A_178] : memref<16777216xf32, #tpu.memory_space<hbm>> -> memref<8192xf32, #tpu.memory_space<hbm>>
        %dma_wait3A_180 = arith.constant 0 : i32
        %dma_wait3A_181 = tpu.memref_slice %arg5[%dma_wait3A_180] : memref<16777216xf32, #tpu.memory_space<hbm>> -> memref<8192xf32, #tpu.memory_space<hbm>>
        tpu.wait_dma2 semaphore(%arg24 : memref<!tpu.dma_semaphore, #tpu.memory_space<semaphore_mem>>) src(%arg14 : memref<8192xf32, #tpu.memory_space<vmem>>) dst(%dma_wait3A_181 : memref<8192xf32, #tpu.memory_space<hbm>>)
      } else {
      }
      %parallel_loop3A = arith.constant 0 : i32
      %parallel_loop3A_69 = arith.constant 512 : i32
      %parallel_loop3A_70 = arith.constant 1 : i32
      scf.for %parallel_loop3A_178 = %parallel_loop3A to %parallel_loop3A_69 step %parallel_loop3A_70  : i32 {
        %parallel_loop3A_179 = arith.constant 16 : i32
        %parallel_loop3A_180 = arith.muli %parallel_loop3A_178, %parallel_loop3A_179 : i32
        %parallel_loop3A_181 = arith.index_cast %parallel_loop3A_180 : i32 to index
        %parallel_loop3A_182 = tpu.vector_load %arg6[%parallel_loop3A_181] {strides = array<i32>} : memref<8192xf32, #tpu.memory_space<vmem>>, vector<16xf32>,
        %parallel_loop3A_183 = arith.constant 2.54647899 : f32
        %parallel_loop3A_184 = vector.broadcast %parallel_loop3A_183 : f32 to vector<16xf32>
        %parallel_loop3A_185 = arith.mulf %parallel_loop3A_182, %parallel_loop3A_184 : vector<16xf32>
        %parallel_loop3A_186 = arith.fptosi %parallel_loop3A_185 : vector<16xf32> to vector<16xi32>
        %parallel_loop3A_187 = arith.index_cast %parallel_loop3A_180 : i32 to index
        %parallel_loop3A_188 = tpu.vector_load %arg10[%parallel_loop3A_187] {strides = array<i32>} : memref<8192xf32, #tpu.memory_space<vmem>>, vector<16xf32>,
        %parallel_loop3A_189 = arith.constant 2.54647899 : f32
        %parallel_loop3A_190 = vector.broadcast %parallel_loop3A_189 : f32 to vector<16xf32>
        %parallel_loop3A_191 = arith.mulf %parallel_loop3A_188, %parallel_loop3A_190 : vector<16xf32>
        %parallel_loop3A_192 = arith.fptosi %parallel_loop3A_191 : vector<16xf32> to vector<16xi32>
        %parallel_loop3A_193 = arith.constant 9 : i32
        %parallel_loop3A_194 = vector.broadcast %parallel_loop3A_193 : i32 to vector<16xi32>
        %parallel_loop3A_195 = arith.muli %parallel_loop3A_186, %parallel_loop3A_194 : vector<16xi32>
        %parallel_loop3A_196 = arith.addi %parallel_loop3A_195, %parallel_loop3A_192 : vector<16xi32>
        %parallel_loop3A_197 = tpu.vector_load_idx %arg19[%parallel_loop3A_196] : memref<160xf32, #tpu.memory_space<vmem>>[vector<16xi32>], vector<16xf32>,
        %parallel_loop3A_198 = arith.index_cast %parallel_loop3A_180 : i32 to index
        %parallel_loop3A_199 = tpu.vector_load %arg14[%parallel_loop3A_198] {strides = array<i32>} : memref<8192xf32, #tpu.memory_space<vmem>>, vector<16xf32>,
        tpu.vector_store %arg14[%parallel_loop3A_198], %parallel_loop3A_197 {strides = array<i32>} : memref<8192xf32, #tpu.memory_space<vmem>>, vector<16xf32>,
      } {sc.loop_unroll_factor = 16 : i64, sc.parallel_access}
      %mul3A_71 = arith.constant 8192 : i32
      %mul3A_72 = arith.muli %add3A_58, %mul3A_71 : i32
      %add3A_73 = arith.addi %mul3A_2, %mul3A_72 : i32
      %dma_start3A_74 = tpu.memref_slice %arg5[%add3A_73] : memref<16777216xf32, #tpu.memory_space<hbm>> -> memref<8192xf32, #tpu.memory_space<hbm>>
      %dma_start3A_75 = tpu.memref_slice %arg5[%add3A_73] : memref<16777216xf32, #tpu.memory_space<hbm>> -> memref<8192xf32, #tpu.memory_space<hbm>>
      tpu.enqueue_dma source(%arg14 : memref<8192xf32, #tpu.memory_space<vmem>>) target(%dma_start3A_75 : memref<8192xf32, #tpu.memory_space<hbm>>) target_semaphore(%arg24 : memref<!tpu.dma_semaphore, #tpu.memory_space<semaphore_mem>>)
      %add3A_76 = arith.constant 4 : i32
      %add3A_77 = arith.addi %add3A_58, %add3A_76 : i32
      %lt3A = arith.constant 64 : i32
      %lt3A_78 = arith.cmpi slt, %add3A_77, %lt3A : i32
      %convert_element_type3A_79 = arith.extui %lt3A_78 : i1 to i32
      %cond3A_80 = arith.constant 0 : i32
      %cond3A_81 = arith.cmpi ne, %convert_element_type3A_79, %cond3A_80 : i32
      scf.if %cond3A_81 {
        %add3A_178 = arith.constant 4 : i32
        %add3A_179 = arith.addi %add3A_58, %add3A_178 : i32
        %mul3A_180 = arith.constant 8192 : i32
        %mul3A_181 = arith.muli %add3A_179, %mul3A_180 : i32
        %add3A_182 = arith.addi %mul3A_2, %mul3A_181 : i32
        %dma_start3A_183 = tpu.memref_slice %arg2[%add3A_182] : memref<16777216xf32, #tpu.memory_space<hbm>> -> memref<8192xf32, #tpu.memory_space<hbm>>
        %dma_start3A_184 = tpu.memref_slice %arg2[%add3A_182] : memref<16777216xf32, #tpu.memory_space<hbm>> -> memref<8192xf32, #tpu.memory_space<hbm>>
        tpu.enqueue_dma source(%dma_start3A_184 : memref<8192xf32, #tpu.memory_space<hbm>>) target(%arg6 : memref<8192xf32, #tpu.memory_space<vmem>>) target_semaphore(%arg20 : memref<!tpu.dma_semaphore, #tpu.memory_space<semaphore_mem>>)
        %dma_start3A_185 = tpu.memref_slice %arg3[%add3A_182] : memref<16777216xf32, #tpu.memory_space<hbm>> -> memref<8192xf32, #tpu.memory_space<hbm>>
        %dma_start3A_186 = tpu.memref_slice %arg3[%add3A_182] : memref<16777216xf32, #tpu.memory_space<hbm>> -> memref<8192xf32, #tpu.memory_space<hbm>>
        tpu.enqueue_dma source(%dma_start3A_186 : memref<8192xf32, #tpu.memory_space<hbm>>) target(%arg10 : memref<8192xf32, #tpu.memory_space<vmem>>) target_semaphore(%arg20 : memref<!tpu.dma_semaphore, #tpu.memory_space<semaphore_mem>>)
      } else {
      }
      %mul3A_82 = arith.constant 4 : i32
      %mul3A_83 = arith.muli %add3A_54, %mul3A_82 : i32
      %add3A_84 = arith.constant 1 : i32
      %add3A_85 = arith.addi %mul3A_83, %add3A_84 : i32
      %dma_wait3A_86 = arith.constant 0 : i32
      %dma_wait3A_87 = tpu.memref_slice %arg2[%dma_wait3A_86] : memref<16777216xf32, #tpu.memory_space<hbm>> -> memref<8192xf32, #tpu.memory_space<hbm>>
      %dma_wait3A_88 = arith.constant 0 : i32
      %dma_wait3A_89 = tpu.memref_slice %arg2[%dma_wait3A_88] : memref<16777216xf32, #tpu.memory_space<hbm>> -> memref<8192xf32, #tpu.memory_space<hbm>>
      tpu.wait_dma2 semaphore(%arg21 : memref<!tpu.dma_semaphore, #tpu.memory_space<semaphore_mem>>) src(%dma_wait3A_89 : memref<8192xf32, #tpu.memory_space<hbm>>) dst(%arg7 : memref<8192xf32, #tpu.memory_space<vmem>>)
      %dma_wait3A_90 = arith.constant 0 : i32
      %dma_wait3A_91 = tpu.memref_slice %arg3[%dma_wait3A_90] : memref<16777216xf32, #tpu.memory_space<hbm>> -> memref<8192xf32, #tpu.memory_space<hbm>>
      %dma_wait3A_92 = arith.constant 0 : i32
      %dma_wait3A_93 = tpu.memref_slice %arg3[%dma_wait3A_92] : memref<16777216xf32, #tpu.memory_space<hbm>> -> memref<8192xf32, #tpu.memory_space<hbm>>
      tpu.wait_dma2 semaphore(%arg21 : memref<!tpu.dma_semaphore, #tpu.memory_space<semaphore_mem>>) src(%dma_wait3A_93 : memref<8192xf32, #tpu.memory_space<hbm>>) dst(%arg11 : memref<8192xf32, #tpu.memory_space<vmem>>)
      %gt3A_94 = arith.constant 0 : i32
      %gt3A_95 = arith.cmpi sgt, %add3A_54, %gt3A_94 : i32
      %convert_element_type3A_96 = arith.extui %gt3A_95 : i1 to i32
      %cond3A_97 = arith.constant 0 : i32
      %cond3A_98 = arith.cmpi ne, %convert_element_type3A_96, %cond3A_97 : i32
      scf.if %cond3A_98 {
        %dma_wait3A_178 = arith.constant 0 : i32
        %dma_wait3A_179 = tpu.memref_slice %arg5[%dma_wait3A_178] : memref<16777216xf32, #tpu.memory_space<hbm>> -> memref<8192xf32, #tpu.memory_space<hbm>>
        %dma_wait3A_180 = arith.constant 0 : i32
        %dma_wait3A_181 = tpu.memref_slice %arg5[%dma_wait3A_180] : memref<16777216xf32, #tpu.memory_space<hbm>> -> memref<8192xf32, #tpu.memory_space<hbm>>
        tpu.wait_dma2 semaphore(%arg25 : memref<!tpu.dma_semaphore, #tpu.memory_space<semaphore_mem>>) src(%arg15 : memref<8192xf32, #tpu.memory_space<vmem>>) dst(%dma_wait3A_181 : memref<8192xf32, #tpu.memory_space<hbm>>)
      } else {
      }
      %parallel_loop3A_99 = arith.constant 0 : i32
      %parallel_loop3A_100 = arith.constant 512 : i32
      %parallel_loop3A_101 = arith.constant 1 : i32
      scf.for %parallel_loop3A_178 = %parallel_loop3A_99 to %parallel_loop3A_100 step %parallel_loop3A_101  : i32 {
        %parallel_loop3A_179 = arith.constant 16 : i32
        %parallel_loop3A_180 = arith.muli %parallel_loop3A_178, %parallel_loop3A_179 : i32
        %parallel_loop3A_181 = arith.index_cast %parallel_loop3A_180 : i32 to index
        %parallel_loop3A_182 = tpu.vector_load %arg7[%parallel_loop3A_181] {strides = array<i32>} : memref<8192xf32, #tpu.memory_space<vmem>>, vector<16xf32>,
        %parallel_loop3A_183 = arith.constant 2.54647899 : f32
        %parallel_loop3A_184 = vector.broadcast %parallel_loop3A_183 : f32 to vector<16xf32>
        %parallel_loop3A_185 = arith.mulf %parallel_loop3A_182, %parallel_loop3A_184 : vector<16xf32>
        %parallel_loop3A_186 = arith.fptosi %parallel_loop3A_185 : vector<16xf32> to vector<16xi32>
        %parallel_loop3A_187 = arith.index_cast %parallel_loop3A_180 : i32 to index
        %parallel_loop3A_188 = tpu.vector_load %arg11[%parallel_loop3A_187] {strides = array<i32>} : memref<8192xf32, #tpu.memory_space<vmem>>, vector<16xf32>,
        %parallel_loop3A_189 = arith.constant 2.54647899 : f32
        %parallel_loop3A_190 = vector.broadcast %parallel_loop3A_189 : f32 to vector<16xf32>
        %parallel_loop3A_191 = arith.mulf %parallel_loop3A_188, %parallel_loop3A_190 : vector<16xf32>
        %parallel_loop3A_192 = arith.fptosi %parallel_loop3A_191 : vector<16xf32> to vector<16xi32>
        %parallel_loop3A_193 = arith.constant 9 : i32
        %parallel_loop3A_194 = vector.broadcast %parallel_loop3A_193 : i32 to vector<16xi32>
        %parallel_loop3A_195 = arith.muli %parallel_loop3A_186, %parallel_loop3A_194 : vector<16xi32>
        %parallel_loop3A_196 = arith.addi %parallel_loop3A_195, %parallel_loop3A_192 : vector<16xi32>
        %parallel_loop3A_197 = tpu.vector_load_idx %arg19[%parallel_loop3A_196] : memref<160xf32, #tpu.memory_space<vmem>>[vector<16xi32>], vector<16xf32>,
        %parallel_loop3A_198 = arith.index_cast %parallel_loop3A_180 : i32 to index
        %parallel_loop3A_199 = tpu.vector_load %arg15[%parallel_loop3A_198] {strides = array<i32>} : memref<8192xf32, #tpu.memory_space<vmem>>, vector<16xf32>,
        tpu.vector_store %arg15[%parallel_loop3A_198], %parallel_loop3A_197 {strides = array<i32>} : memref<8192xf32, #tpu.memory_space<vmem>>, vector<16xf32>,
      } {sc.loop_unroll_factor = 16 : i64, sc.parallel_access}
      %mul3A_102 = arith.constant 8192 : i32
      %mul3A_103 = arith.muli %add3A_85, %mul3A_102 : i32
      %add3A_104 = arith.addi %mul3A_2, %mul3A_103 : i32
      %dma_start3A_105 = tpu.memref_slice %arg5[%add3A_104] : memref<16777216xf32, #tpu.memory_space<hbm>> -> memref<8192xf32, #tpu.memory_space<hbm>>
      %dma_start3A_106 = tpu.memref_slice %arg5[%add3A_104] : memref<16777216xf32, #tpu.memory_space<hbm>> -> memref<8192xf32, #tpu.memory_space<hbm>>
      tpu.enqueue_dma source(%arg15 : memref<8192xf32, #tpu.memory_space<vmem>>) target(%dma_start3A_106 : memref<8192xf32, #tpu.memory_space<hbm>>) target_semaphore(%arg25 : memref<!tpu.dma_semaphore, #tpu.memory_space<semaphore_mem>>)
      %add3A_107 = arith.constant 4 : i32
      %add3A_108 = arith.addi %add3A_85, %add3A_107 : i32
      %lt3A_109 = arith.constant 64 : i32
      %lt3A_110 = arith.cmpi slt, %add3A_108, %lt3A_109 : i32
      %convert_element_type3A_111 = arith.extui %lt3A_110 : i1 to i32
      %cond3A_112 = arith.constant 0 : i32
      %cond3A_113 = arith.cmpi ne, %convert_element_type3A_111, %cond3A_112 : i32
      scf.if %cond3A_113 {
        %add3A_178 = arith.constant 4 : i32
        %add3A_179 = arith.addi %add3A_85, %add3A_178 : i32
        %mul3A_180 = arith.constant 8192 : i32
        %mul3A_181 = arith.muli %add3A_179, %mul3A_180 : i32
        %add3A_182 = arith.addi %mul3A_2, %mul3A_181 : i32
        %dma_start3A_183 = tpu.memref_slice %arg2[%add3A_182] : memref<16777216xf32, #tpu.memory_space<hbm>> -> memref<8192xf32, #tpu.memory_space<hbm>>
        %dma_start3A_184 = tpu.memref_slice %arg2[%add3A_182] : memref<16777216xf32, #tpu.memory_space<hbm>> -> memref<8192xf32, #tpu.memory_space<hbm>>
        tpu.enqueue_dma source(%dma_start3A_184 : memref<8192xf32, #tpu.memory_space<hbm>>) target(%arg7 : memref<8192xf32, #tpu.memory_space<vmem>>) target_semaphore(%arg21 : memref<!tpu.dma_semaphore, #tpu.memory_space<semaphore_mem>>)
        %dma_start3A_185 = tpu.memref_slice %arg3[%add3A_182] : memref<16777216xf32, #tpu.memory_space<hbm>> -> memref<8192xf32, #tpu.memory_space<hbm>>
        %dma_start3A_186 = tpu.memref_slice %arg3[%add3A_182] : memref<16777216xf32, #tpu.memory_space<hbm>> -> memref<8192xf32, #tpu.memory_space<hbm>>
        tpu.enqueue_dma source(%dma_start3A_186 : memref<8192xf32, #tpu.memory_space<hbm>>) target(%arg11 : memref<8192xf32, #tpu.memory_space<vmem>>) target_semaphore(%arg21 : memref<!tpu.dma_semaphore, #tpu.memory_space<semaphore_mem>>)
      } else {
      }
      %mul3A_114 = arith.constant 4 : i32
      %mul3A_115 = arith.muli %add3A_54, %mul3A_114 : i32
      %add3A_116 = arith.constant 2 : i32
      %add3A_117 = arith.addi %mul3A_115, %add3A_116 : i32
      %dma_wait3A_118 = arith.constant 0 : i32
      %dma_wait3A_119 = tpu.memref_slice %arg2[%dma_wait3A_118] : memref<16777216xf32, #tpu.memory_space<hbm>> -> memref<8192xf32, #tpu.memory_space<hbm>>
      %dma_wait3A_120 = arith.constant 0 : i32
      %dma_wait3A_121 = tpu.memref_slice %arg2[%dma_wait3A_120] : memref<16777216xf32, #tpu.memory_space<hbm>> -> memref<8192xf32, #tpu.memory_space<hbm>>
      tpu.wait_dma2 semaphore(%arg22 : memref<!tpu.dma_semaphore, #tpu.memory_space<semaphore_mem>>) src(%dma_wait3A_121 : memref<8192xf32, #tpu.memory_space<hbm>>) dst(%arg8 : memref<8192xf32, #tpu.memory_space<vmem>>)
      %dma_wait3A_122 = arith.constant 0 : i32
      %dma_wait3A_123 = tpu.memref_slice %arg3[%dma_wait3A_122] : memref<16777216xf32, #tpu.memory_space<hbm>> -> memref<8192xf32, #tpu.memory_space<hbm>>
      %dma_wait3A_124 = arith.constant 0 : i32
      %dma_wait3A_125 = tpu.memref_slice %arg3[%dma_wait3A_124] : memref<16777216xf32, #tpu.memory_space<hbm>> -> memref<8192xf32, #tpu.memory_space<hbm>>
      tpu.wait_dma2 semaphore(%arg22 : memref<!tpu.dma_semaphore, #tpu.memory_space<semaphore_mem>>) src(%dma_wait3A_125 : memref<8192xf32, #tpu.memory_space<hbm>>) dst(%arg12 : memref<8192xf32, #tpu.memory_space<vmem>>)
      %gt3A_126 = arith.constant 0 : i32
      %gt3A_127 = arith.cmpi sgt, %add3A_54, %gt3A_126 : i32
      %convert_element_type3A_128 = arith.extui %gt3A_127 : i1 to i32
      %cond3A_129 = arith.constant 0 : i32
      %cond3A_130 = arith.cmpi ne, %convert_element_type3A_128, %cond3A_129 : i32
      scf.if %cond3A_130 {
        %dma_wait3A_178 = arith.constant 0 : i32
        %dma_wait3A_179 = tpu.memref_slice %arg5[%dma_wait3A_178] : memref<16777216xf32, #tpu.memory_space<hbm>> -> memref<8192xf32, #tpu.memory_space<hbm>>
        %dma_wait3A_180 = arith.constant 0 : i32
        %dma_wait3A_181 = tpu.memref_slice %arg5[%dma_wait3A_180] : memref<16777216xf32, #tpu.memory_space<hbm>> -> memref<8192xf32, #tpu.memory_space<hbm>>
        tpu.wait_dma2 semaphore(%arg26 : memref<!tpu.dma_semaphore, #tpu.memory_space<semaphore_mem>>) src(%arg16 : memref<8192xf32, #tpu.memory_space<vmem>>) dst(%dma_wait3A_181 : memref<8192xf32, #tpu.memory_space<hbm>>)
      } else {
      }
      %parallel_loop3A_131 = arith.constant 0 : i32
      %parallel_loop3A_132 = arith.constant 512 : i32
      %parallel_loop3A_133 = arith.constant 1 : i32
      scf.for %parallel_loop3A_178 = %parallel_loop3A_131 to %parallel_loop3A_132 step %parallel_loop3A_133  : i32 {
        %parallel_loop3A_179 = arith.constant 16 : i32
        %parallel_loop3A_180 = arith.muli %parallel_loop3A_178, %parallel_loop3A_179 : i32
        %parallel_loop3A_181 = arith.index_cast %parallel_loop3A_180 : i32 to index
        %parallel_loop3A_182 = tpu.vector_load %arg8[%parallel_loop3A_181] {strides = array<i32>} : memref<8192xf32, #tpu.memory_space<vmem>>, vector<16xf32>,
        %parallel_loop3A_183 = arith.constant 2.54647899 : f32
        %parallel_loop3A_184 = vector.broadcast %parallel_loop3A_183 : f32 to vector<16xf32>
        %parallel_loop3A_185 = arith.mulf %parallel_loop3A_182, %parallel_loop3A_184 : vector<16xf32>
        %parallel_loop3A_186 = arith.fptosi %parallel_loop3A_185 : vector<16xf32> to vector<16xi32>
        %parallel_loop3A_187 = arith.index_cast %parallel_loop3A_180 : i32 to index
        %parallel_loop3A_188 = tpu.vector_load %arg12[%parallel_loop3A_187] {strides = array<i32>} : memref<8192xf32, #tpu.memory_space<vmem>>, vector<16xf32>,
        %parallel_loop3A_189 = arith.constant 2.54647899 : f32
        %parallel_loop3A_190 = vector.broadcast %parallel_loop3A_189 : f32 to vector<16xf32>
        %parallel_loop3A_191 = arith.mulf %parallel_loop3A_188, %parallel_loop3A_190 : vector<16xf32>
        %parallel_loop3A_192 = arith.fptosi %parallel_loop3A_191 : vector<16xf32> to vector<16xi32>
        %parallel_loop3A_193 = arith.constant 9 : i32
        %parallel_loop3A_194 = vector.broadcast %parallel_loop3A_193 : i32 to vector<16xi32>
        %parallel_loop3A_195 = arith.muli %parallel_loop3A_186, %parallel_loop3A_194 : vector<16xi32>
        %parallel_loop3A_196 = arith.addi %parallel_loop3A_195, %parallel_loop3A_192 : vector<16xi32>
        %parallel_loop3A_197 = tpu.vector_load_idx %arg19[%parallel_loop3A_196] : memref<160xf32, #tpu.memory_space<vmem>>[vector<16xi32>], vector<16xf32>,
        %parallel_loop3A_198 = arith.index_cast %parallel_loop3A_180 : i32 to index
        %parallel_loop3A_199 = tpu.vector_load %arg16[%parallel_loop3A_198] {strides = array<i32>} : memref<8192xf32, #tpu.memory_space<vmem>>, vector<16xf32>,
        tpu.vector_store %arg16[%parallel_loop3A_198], %parallel_loop3A_197 {strides = array<i32>} : memref<8192xf32, #tpu.memory_space<vmem>>, vector<16xf32>,
      } {sc.loop_unroll_factor = 16 : i64, sc.parallel_access}
      %mul3A_134 = arith.constant 8192 : i32
      %mul3A_135 = arith.muli %add3A_117, %mul3A_134 : i32
      %add3A_136 = arith.addi %mul3A_2, %mul3A_135 : i32
      %dma_start3A_137 = tpu.memref_slice %arg5[%add3A_136] : memref<16777216xf32, #tpu.memory_space<hbm>> -> memref<8192xf32, #tpu.memory_space<hbm>>
      %dma_start3A_138 = tpu.memref_slice %arg5[%add3A_136] : memref<16777216xf32, #tpu.memory_space<hbm>> -> memref<8192xf32, #tpu.memory_space<hbm>>
      tpu.enqueue_dma source(%arg16 : memref<8192xf32, #tpu.memory_space<vmem>>) target(%dma_start3A_138 : memref<8192xf32, #tpu.memory_space<hbm>>) target_semaphore(%arg26 : memref<!tpu.dma_semaphore, #tpu.memory_space<semaphore_mem>>)
      %add3A_139 = arith.constant 4 : i32
      %add3A_140 = arith.addi %add3A_117, %add3A_139 : i32
      %lt3A_141 = arith.constant 64 : i32
      %lt3A_142 = arith.cmpi slt, %add3A_140, %lt3A_141 : i32
      %convert_element_type3A_143 = arith.extui %lt3A_142 : i1 to i32
      %cond3A_144 = arith.constant 0 : i32
      %cond3A_145 = arith.cmpi ne, %convert_element_type3A_143, %cond3A_144 : i32
      scf.if %cond3A_145 {
        %add3A_178 = arith.constant 4 : i32
        %add3A_179 = arith.addi %add3A_117, %add3A_178 : i32
        %mul3A_180 = arith.constant 8192 : i32
        %mul3A_181 = arith.muli %add3A_179, %mul3A_180 : i32
        %add3A_182 = arith.addi %mul3A_2, %mul3A_181 : i32
        %dma_start3A_183 = tpu.memref_slice %arg2[%add3A_182] : memref<16777216xf32, #tpu.memory_space<hbm>> -> memref<8192xf32, #tpu.memory_space<hbm>>
        %dma_start3A_184 = tpu.memref_slice %arg2[%add3A_182] : memref<16777216xf32, #tpu.memory_space<hbm>> -> memref<8192xf32, #tpu.memory_space<hbm>>
        tpu.enqueue_dma source(%dma_start3A_184 : memref<8192xf32, #tpu.memory_space<hbm>>) target(%arg8 : memref<8192xf32, #tpu.memory_space<vmem>>) target_semaphore(%arg22 : memref<!tpu.dma_semaphore, #tpu.memory_space<semaphore_mem>>)
        %dma_start3A_185 = tpu.memref_slice %arg3[%add3A_182] : memref<16777216xf32, #tpu.memory_space<hbm>> -> memref<8192xf32, #tpu.memory_space<hbm>>
        %dma_start3A_186 = tpu.memref_slice %arg3[%add3A_182] : memref<16777216xf32, #tpu.memory_space<hbm>> -> memref<8192xf32, #tpu.memory_space<hbm>>
        tpu.enqueue_dma source(%dma_start3A_186 : memref<8192xf32, #tpu.memory_space<hbm>>) target(%arg12 : memref<8192xf32, #tpu.memory_space<vmem>>) target_semaphore(%arg22 : memref<!tpu.dma_semaphore, #tpu.memory_space<semaphore_mem>>)
      } else {
      }
      %mul3A_146 = arith.constant 4 : i32
      %mul3A_147 = arith.muli %add3A_54, %mul3A_146 : i32
      %add3A_148 = arith.constant 3 : i32
      %add3A_149 = arith.addi %mul3A_147, %add3A_148 : i32
      %dma_wait3A_150 = arith.constant 0 : i32
      %dma_wait3A_151 = tpu.memref_slice %arg2[%dma_wait3A_150] : memref<16777216xf32, #tpu.memory_space<hbm>> -> memref<8192xf32, #tpu.memory_space<hbm>>
      %dma_wait3A_152 = arith.constant 0 : i32
      %dma_wait3A_153 = tpu.memref_slice %arg2[%dma_wait3A_152] : memref<16777216xf32, #tpu.memory_space<hbm>> -> memref<8192xf32, #tpu.memory_space<hbm>>
      tpu.wait_dma2 semaphore(%arg23 : memref<!tpu.dma_semaphore, #tpu.memory_space<semaphore_mem>>) src(%dma_wait3A_153 : memref<8192xf32, #tpu.memory_space<hbm>>) dst(%arg9 : memref<8192xf32, #tpu.memory_space<vmem>>)
      %dma_wait3A_154 = arith.constant 0 : i32
      %dma_wait3A_155 = tpu.memref_slice %arg3[%dma_wait3A_154] : memref<16777216xf32, #tpu.memory_space<hbm>> -> memref<8192xf32, #tpu.memory_space<hbm>>
      %dma_wait3A_156 = arith.constant 0 : i32
      %dma_wait3A_157 = tpu.memref_slice %arg3[%dma_wait3A_156] : memref<16777216xf32, #tpu.memory_space<hbm>> -> memref<8192xf32, #tpu.memory_space<hbm>>
      tpu.wait_dma2 semaphore(%arg23 : memref<!tpu.dma_semaphore, #tpu.memory_space<semaphore_mem>>) src(%dma_wait3A_157 : memref<8192xf32, #tpu.memory_space<hbm>>) dst(%arg13 : memref<8192xf32, #tpu.memory_space<vmem>>)
      %gt3A_158 = arith.constant 0 : i32
      %gt3A_159 = arith.cmpi sgt, %add3A_54, %gt3A_158 : i32
      %convert_element_type3A_160 = arith.extui %gt3A_159 : i1 to i32
      %cond3A_161 = arith.constant 0 : i32
      %cond3A_162 = arith.cmpi ne, %convert_element_type3A_160, %cond3A_161 : i32
      scf.if %cond3A_162 {
        %dma_wait3A_178 = arith.constant 0 : i32
        %dma_wait3A_179 = tpu.memref_slice %arg5[%dma_wait3A_178] : memref<16777216xf32, #tpu.memory_space<hbm>> -> memref<8192xf32, #tpu.memory_space<hbm>>
        %dma_wait3A_180 = arith.constant 0 : i32
        %dma_wait3A_181 = tpu.memref_slice %arg5[%dma_wait3A_180] : memref<16777216xf32, #tpu.memory_space<hbm>> -> memref<8192xf32, #tpu.memory_space<hbm>>
        tpu.wait_dma2 semaphore(%arg27 : memref<!tpu.dma_semaphore, #tpu.memory_space<semaphore_mem>>) src(%arg17 : memref<8192xf32, #tpu.memory_space<vmem>>) dst(%dma_wait3A_181 : memref<8192xf32, #tpu.memory_space<hbm>>)
      } else {
      }
      %parallel_loop3A_163 = arith.constant 0 : i32
      %parallel_loop3A_164 = arith.constant 512 : i32
      %parallel_loop3A_165 = arith.constant 1 : i32
      scf.for %parallel_loop3A_178 = %parallel_loop3A_163 to %parallel_loop3A_164 step %parallel_loop3A_165  : i32 {
        %parallel_loop3A_179 = arith.constant 16 : i32
        %parallel_loop3A_180 = arith.muli %parallel_loop3A_178, %parallel_loop3A_179 : i32
        %parallel_loop3A_181 = arith.index_cast %parallel_loop3A_180 : i32 to index
        %parallel_loop3A_182 = tpu.vector_load %arg9[%parallel_loop3A_181] {strides = array<i32>} : memref<8192xf32, #tpu.memory_space<vmem>>, vector<16xf32>,
        %parallel_loop3A_183 = arith.constant 2.54647899 : f32
        %parallel_loop3A_184 = vector.broadcast %parallel_loop3A_183 : f32 to vector<16xf32>
        %parallel_loop3A_185 = arith.mulf %parallel_loop3A_182, %parallel_loop3A_184 : vector<16xf32>
        %parallel_loop3A_186 = arith.fptosi %parallel_loop3A_185 : vector<16xf32> to vector<16xi32>
        %parallel_loop3A_187 = arith.index_cast %parallel_loop3A_180 : i32 to index
        %parallel_loop3A_188 = tpu.vector_load %arg13[%parallel_loop3A_187] {strides = array<i32>} : memref<8192xf32, #tpu.memory_space<vmem>>, vector<16xf32>,
        %parallel_loop3A_189 = arith.constant 2.54647899 : f32
        %parallel_loop3A_190 = vector.broadcast %parallel_loop3A_189 : f32 to vector<16xf32>
        %parallel_loop3A_191 = arith.mulf %parallel_loop3A_188, %parallel_loop3A_190 : vector<16xf32>
        %parallel_loop3A_192 = arith.fptosi %parallel_loop3A_191 : vector<16xf32> to vector<16xi32>
        %parallel_loop3A_193 = arith.constant 9 : i32
        %parallel_loop3A_194 = vector.broadcast %parallel_loop3A_193 : i32 to vector<16xi32>
        %parallel_loop3A_195 = arith.muli %parallel_loop3A_186, %parallel_loop3A_194 : vector<16xi32>
        %parallel_loop3A_196 = arith.addi %parallel_loop3A_195, %parallel_loop3A_192 : vector<16xi32>
        %parallel_loop3A_197 = tpu.vector_load_idx %arg19[%parallel_loop3A_196] : memref<160xf32, #tpu.memory_space<vmem>>[vector<16xi32>], vector<16xf32>,
        %parallel_loop3A_198 = arith.index_cast %parallel_loop3A_180 : i32 to index
        %parallel_loop3A_199 = tpu.vector_load %arg17[%parallel_loop3A_198] {strides = array<i32>} : memref<8192xf32, #tpu.memory_space<vmem>>, vector<16xf32>,
        tpu.vector_store %arg17[%parallel_loop3A_198], %parallel_loop3A_197 {strides = array<i32>} : memref<8192xf32, #tpu.memory_space<vmem>>, vector<16xf32>,
      } {sc.loop_unroll_factor = 16 : i64, sc.parallel_access}
      %mul3A_166 = arith.constant 8192 : i32
      %mul3A_167 = arith.muli %add3A_149, %mul3A_166 : i32
      %add3A_168 = arith.addi %mul3A_2, %mul3A_167 : i32
      %dma_start3A_169 = tpu.memref_slice %arg5[%add3A_168] : memref<16777216xf32, #tpu.memory_space<hbm>> -> memref<8192xf32, #tpu.memory_space<hbm>>
      %dma_start3A_170 = tpu.memref_slice %arg5[%add3A_168] : memref<16777216xf32, #tpu.memory_space<hbm>> -> memref<8192xf32, #tpu.memory_space<hbm>>
      tpu.enqueue_dma source(%arg17 : memref<8192xf32, #tpu.memory_space<vmem>>) target(%dma_start3A_170 : memref<8192xf32, #tpu.memory_space<hbm>>) target_semaphore(%arg27 : memref<!tpu.dma_semaphore, #tpu.memory_space<semaphore_mem>>)
      %add3A_171 = arith.constant 4 : i32
      %add3A_172 = arith.addi %add3A_149, %add3A_171 : i32
      %lt3A_173 = arith.constant 64 : i32
      %lt3A_174 = arith.cmpi slt, %add3A_172, %lt3A_173 : i32
      %convert_element_type3A_175 = arith.extui %lt3A_174 : i1 to i32
      %cond3A_176 = arith.constant 0 : i32
      %cond3A_177 = arith.cmpi ne, %convert_element_type3A_175, %cond3A_176 : i32
      scf.if %cond3A_177 {
        %add3A_178 = arith.constant 4 : i32
        %add3A_179 = arith.addi %add3A_149, %add3A_178 : i32
        %mul3A_180 = arith.constant 8192 : i32
        %mul3A_181 = arith.muli %add3A_179, %mul3A_180 : i32
        %add3A_182 = arith.addi %mul3A_2, %mul3A_181 : i32
        %dma_start3A_183 = tpu.memref_slice %arg2[%add3A_182] : memref<16777216xf32, #tpu.memory_space<hbm>> -> memref<8192xf32, #tpu.memory_space<hbm>>
        %dma_start3A_184 = tpu.memref_slice %arg2[%add3A_182] : memref<16777216xf32, #tpu.memory_space<hbm>> -> memref<8192xf32, #tpu.memory_space<hbm>>
        tpu.enqueue_dma source(%dma_start3A_184 : memref<8192xf32, #tpu.memory_space<hbm>>) target(%arg9 : memref<8192xf32, #tpu.memory_space<vmem>>) target_semaphore(%arg23 : memref<!tpu.dma_semaphore, #tpu.memory_space<semaphore_mem>>)
        %dma_start3A_185 = tpu.memref_slice %arg3[%add3A_182] : memref<16777216xf32, #tpu.memory_space<hbm>> -> memref<8192xf32, #tpu.memory_space<hbm>>
        %dma_start3A_186 = tpu.memref_slice %arg3[%add3A_182] : memref<16777216xf32, #tpu.memory_space<hbm>> -> memref<8192xf32, #tpu.memory_space<hbm>>
        tpu.enqueue_dma source(%dma_start3A_186 : memref<8192xf32, #tpu.memory_space<hbm>>) target(%arg13 : memref<8192xf32, #tpu.memory_space<vmem>>) target_semaphore(%arg23 : memref<!tpu.dma_semaphore, #tpu.memory_space<semaphore_mem>>)
      } else {
      }
    }
    %scan3A_34 = arith.constant 16 : i32
    %dma_wait3A = arith.constant 0 : i32
    %dma_wait3A_35 = tpu.memref_slice %arg5[%dma_wait3A] : memref<16777216xf32, #tpu.memory_space<hbm>> -> memref<8192xf32, #tpu.memory_space<hbm>>
    %dma_wait3A_36 = arith.constant 0 : i32
    %dma_wait3A_37 = tpu.memref_slice %arg5[%dma_wait3A_36] : memref<16777216xf32, #tpu.memory_space<hbm>> -> memref<8192xf32, #tpu.memory_space<hbm>>
    tpu.wait_dma2 semaphore(%arg24 : memref<!tpu.dma_semaphore, #tpu.memory_space<semaphore_mem>>) src(%arg14 : memref<8192xf32, #tpu.memory_space<vmem>>) dst(%dma_wait3A_37 : memref<8192xf32, #tpu.memory_space<hbm>>)
    %dma_wait3A_38 = arith.constant 0 : i32
    %dma_wait3A_39 = tpu.memref_slice %arg5[%dma_wait3A_38] : memref<16777216xf32, #tpu.memory_space<hbm>> -> memref<8192xf32, #tpu.memory_space<hbm>>
    %dma_wait3A_40 = arith.constant 0 : i32
    %dma_wait3A_41 = tpu.memref_slice %arg5[%dma_wait3A_40] : memref<16777216xf32, #tpu.memory_space<hbm>> -> memref<8192xf32, #tpu.memory_space<hbm>>
    tpu.wait_dma2 semaphore(%arg25 : memref<!tpu.dma_semaphore, #tpu.memory_space<semaphore_mem>>) src(%arg15 : memref<8192xf32, #tpu.memory_space<vmem>>) dst(%dma_wait3A_41 : memref<8192xf32, #tpu.memory_space<hbm>>)
    %dma_wait3A_42 = arith.constant 0 : i32
    %dma_wait3A_43 = tpu.memref_slice %arg5[%dma_wait3A_42] : memref<16777216xf32, #tpu.memory_space<hbm>> -> memref<8192xf32, #tpu.memory_space<hbm>>
    %dma_wait3A_44 = arith.constant 0 : i32
    %dma_wait3A_45 = tpu.memref_slice %arg5[%dma_wait3A_44] : memref<16777216xf32, #tpu.memory_space<hbm>> -> memref<8192xf32, #tpu.memory_space<hbm>>
    tpu.wait_dma2 semaphore(%arg26 : memref<!tpu.dma_semaphore, #tpu.memory_space<semaphore_mem>>) src(%arg16 : memref<8192xf32, #tpu.memory_space<vmem>>) dst(%dma_wait3A_45 : memref<8192xf32, #tpu.memory_space<hbm>>)
    %dma_wait3A_46 = arith.constant 0 : i32
    %dma_wait3A_47 = tpu.memref_slice %arg5[%dma_wait3A_46] : memref<16777216xf32, #tpu.memory_space<hbm>> -> memref<8192xf32, #tpu.memory_space<hbm>>
    %dma_wait3A_48 = arith.constant 0 : i32
    %dma_wait3A_49 = tpu.memref_slice %arg5[%dma_wait3A_48] : memref<16777216xf32, #tpu.memory_space<hbm>> -> memref<8192xf32, #tpu.memory_space<hbm>>
    tpu.wait_dma2 semaphore(%arg27 : memref<!tpu.dma_semaphore, #tpu.memory_space<semaphore_mem>>) src(%arg17 : memref<8192xf32, #tpu.memory_space<vmem>>) dst(%dma_wait3A_49 : memref<8192xf32, #tpu.memory_space<hbm>>)
    return
  }
}

</mosaic_0001>

<sc_bundles>
// kernel: _sc_call.3.cloned.1.call-start
scs
__scs_entry_jumppad:
0x0: {  	(pc) =	sbr.rel $0x88, $3  }
0x1: {  	(tag) =	ssettag $0x0;
	lr =	simm.s32 $0x1  }
0x2: {  	[smem:$0x3F9E] =	sst lr;
	_ =	strace $0xD0000000  }
0x3: {  	_ = 	snop  }
0x4: {  	_ = 	snop  }
0x5: {  	_ = 	snop  }
0x6: {  	_ = 	snop  }
0x7: {  	_ = 	snop  }
__scs_overlays_trampoline_lowered:
0x8: {  	[smem:$0x3FAD] =	sst s0  }
0x9: {  	[smem:$0x3FAE] =	sst s1  }
0xa: {  	[smem:$0x3FAF] =	sst s2  }
0xb: {  	[smem:$0x3FB0] =	sst s3  }
0xc: {  	[smem:$0x3FB1] =	sst s4  }
0xd: {  	[smem:$0x3FB2] =	sst s5  }
0xe: {  	[smem:$0x3FB3] =	sst s6  }
0xf: {  	[smem:$0x3FB4] =	sst s7  }
0x10: {  	[smem:$0x3FB5] =	sst s8  }
0x11: {  	[smem:$0x3FB6] =	sst s9;
	s0 =	simm.s32 @!p0 $0x0  }
0x12: {  	s1 =	sld [smem:$0x3F9C];
	s0 =	simm.s32 @p0 $0x1  }
0x13: {  	[smem:$0x3FB7] =	sst s0;
	s0 =	simm.s32 @!p1 $0x0  }
0x14: {  	s2 =	sld [smem:$0x3F9B];
	s0 =	simm.s32 @p1 $0x1  }
0x15: {  	[smem:$0x3FB8] =	sst s0;
	s0 =	simm.s32 @!p2 $0x0  }
0x16: {  	s3 =	sld [smem:$0x3FDB];
	s0 =	simm.s32 @p2 $0x1  }
0x17: {  	s4 =	simm.s32 $0x1BF5;
	[smem:$0x3FBA] =	sst s0  }
0x18: {  	s0 =	sld [smem:$0x3F9D];
	_ =	swait.ge [sflag:s4], $0x0  }
0x19: {  	s7 =	sld [smem:$0x3F9E]  }
0x1a: {  	s8 =	sadd.s32 $0xFFFFE003, lr  }
0x1b: {  	s9 =	sadd.s32 $0xFFFFFEF7, lr;
	s5 =	simm.s32 $0xFFFFFFFF;
	p2 =	slt.u32 s8, $0xFFFFF086  }
0x1c: {  	p1 =	slt.u32 s9, $0xF7A;
	s5 =	simm.s32 @!p2 $0x0  }
0x1d: {  	s5 =	simm.s32 @p1 $0x1;
	p0 =	seq.s32 s7, s2  }
0x1e: {  	s7 =	smul.u32 @!p0 $0xF7A, s2;
	p2 =	seq.s32 @!p0 s5, $0x0  }
0x1f: {  	s9 =	smul.u32 $0xF7A, s1;
	s8 =	simm.s32 @!p0 $0x1BF5;
	p2 =	por !p2, p0  }
0x20: {  	[sflag:s8] =	ssyncset.s32 @!p0 $0xFFFFF086;
	s6 =	sadd.s32 @!p0 s3, s7;
	s7 =	simm.s32 @!p0 $0x108  }
0x21: {  	s3 =	sadd.s32 s3, s9;
	s6 =	sadd.s32 @!p0 $0x88, s6;
	s7 =	simm.s32 @p2 $0x1082  }
0x22: {  	[simem:s7], [sflag:s8] =	dma.local @!p0 [hbm:s6], $0xF7A  }
0x23: {  	s9 =	sor.u32 $0xD0000000, s2;
	s6 =	simm.s32 $0x108;
	_ =	swait.ge @!p0 [sflag:s8], $0x0  }
0x24: {  	s3 =	sadd.s32 $0x88, s3;
	s6 =	simm.s32 @!p1 $0x1082;
	[sflag:s4] =	ssyncset.s32 $0xFFFFF086  }
0x25: {  	[simem:s6], [sflag:s4] =	dma.local [hbm:s3], $0xF7A  }
0x26: {  	[smem:$0x3F9E] =	sst s1;
	(tag) =	ssettag s2;
	_ =	strace s9  }
0x27: {  	s1 =	sld [smem:$0x3FAE]  }
0x28: {  	s2 =	sld [smem:$0x3FAF]  }
0x29: {  	s4 =	sld [smem:$0x3FB1]  }
0x2a: {  	p0 =	seq.s32 s5, $0x0;
	s5 =	sld [smem:$0x3FB2]  }
0x2b: {  	s6 =	sld [smem:$0x3FB3]  }
0x2c: {  	s7 =	sld [smem:$0x3FB4]  }
0x2d: {  	s3 =	simm.s32 $0x108;
	s8 =	sld [smem:$0x3FB5]  }
0x2e: {  	s3 =	simm.s32 @!p0 $0x1082;
	s9 =	sld [smem:$0x3FB6]  }
0x2f: {  	lr =	sadd.s32 s0, s3;
	s0 =	sld [smem:$0x3FAD]  }
0x30: {  	s3 =	sld [smem:$0x3FB0]  }
0x31: {  	[smem:$0x3FB9] =	sst s10  }
0x32: {  	s10 =	sld [smem:$0x3FB7];
	_ =	sdelay $0x3  }
0x33: {  	p0 =	seq.s32 s10, $0x1;
	s10 =	sld [smem:$0x3FB9];
	_ =	sdelay $0x3  }
0x34: {  	[smem:$0x3FB9] =	sst s10  }
0x35: {  	s10 =	sld [smem:$0x3FB8];
	_ =	sdelay $0x3  }
0x36: {  	p1 =	seq.s32 s10, $0x1;
	s10 =	sld [smem:$0x3FB9];
	_ =	sdelay $0x3  }
0x37: {  	[smem:$0x3FB9] =	sst s10  }
0x38: {  	s10 =	sld [smem:$0x3FBA]  }
0x39: {  	_ = 	snop;
	(pc) =	sbr.ind lr, $3  }
0x3a: {  	_ = 	snop  }
0x3b: {  	_ = 	snop  }
0x3c: {  	p2 =	seq.s32 s10, $0x1;
	s10 =	sld [smem:$0x3FB9]  }
0x3d: {  	_ =	shalt  }
0x3e: {  	_ =	shalt  }
0x3f: {  	_ =	shalt  }
0x40: {  	_ =	shalt  }
0x41: {  	_ =	shalt  }
0x42: {  	_ =	shalt  }
0x43: {  	_ =	shalt  }
0x44: {  	_ =	shalt  }
0x45: {  	_ =	shalt  }
0x46: {  	_ =	shalt  }
0x47: {  	_ =	shalt  }
0x48: {  	_ =	shalt  }
0x49: {  	_ =	shalt  }
0x4a: {  	_ =	shalt  }
0x4b: {  	_ =	shalt  }
0x4c: {  	_ =	shalt  }
0x4d: {  	_ =	shalt  }
0x4e: {  	_ =	shalt  }
0x4f: {  	_ =	shalt  }
0x50: {  	_ =	shalt  }
0x51: {  	_ =	shalt  }
0x52: {  	_ =	shalt  }
0x53: {  	_ =	shalt  }
0x54: {  	_ =	shalt  }
0x55: {  	_ =	shalt  }
0x56: {  	_ =	shalt  }
0x57: {  	_ =	shalt  }
0x58: {  	_ =	shalt  }
0x59: {  	_ =	shalt  }
0x5a: {  	_ =	shalt  }
0x5b: {  	_ =	shalt  }
0x5c: {  	_ =	shalt  }
0x5d: {  	_ =	shalt  }
0x5e: {  	_ =	shalt  }
0x5f: {  	_ =	shalt  }
0x60: {  	_ =	shalt  }
0x61: {  	_ =	shalt  }
0x62: {  	_ =	shalt  }
0x63: {  	_ =	shalt  }
0x64: {  	_ =	shalt  }
0x65: {  	_ =	shalt  }
0x66: {  	_ =	shalt  }
0x67: {  	_ =	shalt  }
0x68: {  	_ =	shalt  }
0x69: {  	_ =	shalt  }
0x6a: {  	_ =	shalt  }
0x6b: {  	_ =	shalt  }
0x6c: {  	_ =	shalt  }
0x6d: {  	_ =	shalt  }
0x6e: {  	_ =	shalt  }
0x6f: {  	_ =	shalt  }
0x70: {  	_ =	shalt  }
0x71: {  	_ =	shalt  }
0x72: {  	_ =	shalt  }
0x73: {  	_ =	shalt  }
0x74: {  	_ =	shalt  }
0x75: {  	_ =	shalt  }
0x76: {  	_ =	shalt  }
0x77: {  	_ =	shalt  }
0x78: {  	_ =	shalt  }
0x79: {  	_ =	shalt  }
0x7a: {  	_ =	shalt  }
0x7b: {  	_ =	shalt  }
0x7c: {  	_ =	shalt  }
0x7d: {  	_ =	shalt  }
0x7e: {  	_ =	shalt  }
0x7f: {  	_ =	shalt  }
0x80: {  	_ =	shalt  }
0x81: {  	_ =	shalt  }
0x82: {  	_ =	shalt  }
0x83: {  	_ =	shalt  }
0x84: {  	_ =	shalt  }
0x85: {  	_ =	shalt  }
0x86: {  	_ =	shalt  }
0x87: {  	_ =	shalt  }
.Lfunc_end0:
.L_simem_size_0:
called_computation_lowered:
.L_overlay_start_0:
0x88: {  	s2 =	sld [smem:$0x3FD9]  }
0x89: {  	s3 =	sld [smem:$0x3FFE];
	_ =	sdelay $0x1  }
0x8a: {  	s1 =	srdreg.scid  }
0x8b: {  	s0 =	sand.u32 $0x1, s1  }
0x8c: {  	s18 =	sshll.u32 s0, $0xA;
	s2 =	sadd.s32 s3, s2  }
0x8d: {  	s2 =	sadd.s32 s2, s18  }
0x8e: {  	[smem:$0x3FC5] =	sst s2  }
0x8f: {  	_ = 	snop  }
0x90: {  	s2 =	sld [smem:$0x3FC9]  }
0x91: {  	s19 =	sld [smem:$0x3FC8]  }
0x92: {  	s4 =	sld [smem:$0x3FC7]  }
0x93: {  	s5 =	sld [smem:$0x3FD0];
	(tm) =	ssettm $0x1  }
0x94: {  	s6 =	sld [smem:$0x3FFB];
	_ =	sdelay $0x3  }
0x95: {  	_ =	strace s6  }
0x96: {  	s6 =	sld [smem:$0x3FFC];
	_ =	sdelay $0x3  }
0x97: {  	_ =	strace s6  }
0x98: {  	s6 =	sld [smem:$0x3FFD];
	_ =	sdelay $0x3  }
0x99: {  	_ =	strace s6  }
0x9a: {  	_ =	strace $0x8FFFFFFF  }
0x9b: {  	s20 =	sld [smem:$0x3FDB];
	_ =	sdelay $0x1  }
0x9c: {  	s7 =	simm.s32 $_scs_section_size  }
0x9d: {  	s8 =	simm.s32 $_size__tile_overlayer_lowered;
	s9 =	simm.s32 $_tile_overlayer_lowered  }
0x9e: {  	s23 =	simm.s32 $0x1BFF;
	s22 =	sshll.u32 s9, $0x1;
	s6 =	sadd.s32 s7, s20  }
0x9f: {  	s10 =	simm.s32 $0x0;
	s21 =	sshll.u32 s8, $0x1;
	s8 =	sadd.s32 s22, s6  }
0xa0: {  	[timem:s10], [sflag:s23] =	dma.local [hbm:s8], s21  }
0xa1: {  	_ =	swait.ge [sflag:s23], s21  }
0xa2: {  	s7 =	ssub.s32 $0x0, s21;
	[sflag:s23] =	ssyncset.done $0x0  }
0xa3: {  	[sflag:s23] =	ssyncadd.s32 s7;
	_ =	sdelay $0x1  }
0xa4: {  	s24 =	simm.s32 $0x1B8B  }
0xa5: {  	_ =	swait.ge [sflag:s24], $0x1  }
0xa6: {  	[sflag:s24] =	ssyncset.done $0x0  }
0xa7: {  	s25 =	simm.s32 $0x1B8E;
	[sflag:s24] =	ssyncadd.s32 $0xFFFFFFFF  }
0xa8: {  	s26 =	simm.s32 $execute0_lowered;
	[smem:$0x3FD2] =	sst s25  }
0xa9: {  	s7 =	sshll.u32 s26, $0x1;
	_ =	strace $0x80000046;
	[dreg:$0x1] =	wrdreg $0xFFFFFFFF  }
0xaa: {  	s28 =	simm.s32 $_size_execute0_lowered;
	s6 =	sadd.s32 s6, s7;
	[dreg:$0x0] =	wrdreg $0x0  }
0xab: {  	s7 =	sshll.u32 s28, $0x1;
	[dreg:$0x2] =	wrdreg s6  }
0xac: {  	[dreg:$0x3] =	wrdreg s7  }
0xad: {  	[dreg:$0x4] =	wrdreg $0xC0  }
0xae: {  	_ =	task [dreg:s10], $0x5FFFF  }
0xaf: {  	[dreg:$0x1] =	wrdreg $0xFFFFFFFF  }
0xb0: {  	[dreg:$0x0] =	wrdreg $0x60  }
0xb1: {  	[dreg:$0x2] =	wrdreg s2  }
0xb2: {  	[dreg:$0x3] =	wrdreg s19  }
0xb3: {  	[dreg:$0x4] =	wrdreg s4  }
0xb4: {  	[dreg:$0x5] =	wrdreg s5  }
0xb5: {  	[dreg:$0x6] =	wrdreg $0x9  }
0xb6: {  	_ =	task.clear_ibuf [dreg:s10], $0x7FFFF;
	_ =	strace $0x90000046  }
0xb7: {  	s29 =	simm.s32 $0x9;
	_ =	strace $0x80000048  }
0xb8: {  	_ =	swait.ge [sflag:s29], $0x1  }
0xb9: {  	[sflag:s29] =	ssyncadd.s32 $0xFFFFFFFF  }
0xba: {  	_ =	strace $0x90000048  }
0xbb: {  	_ =	sfence  }
0xbc: {  	s30 =	sld [smem:$0x0];
	_ =	sdelay $0x2  }
0xbd: {  	s31 =	sshll.u32 s1, $0xD;
	s1 =	sshrl.u32 s1, $0x2  }
0xbe: {  	s3 =	sand.u32 $0x4000, s31;
	s1 =	sadd.s32 s1, s30  }
0xbf: {  	s0 =	sor.u32 s3, s0;
	s1 =	sshll.u32 s1, $0x11  }
0xc0: {  	s0 =	sor.u32 s1, s0  }
0xc1: {  	s0 =	sadd.s32 $0x8F2B, s0  }
0xc2: {  	[sflag:s0] =	ssyncadd.remote.s32 $0x1  }
0xc3: {  	_ =	sfence.sel $0xFFFF  }
0xc4: {  	[dreg:$0x0] =	wrdreg $0xFFFFFFFF;
	(pc) =	sbr.abs _section_cstart, $3  }
0xc5: {  	[dreg:$0x1] =	wrdreg $0xFFFFFFFF  }
0xc6: {  	_ =	task.clear_ibuf [dreg:s10], $0x2FFFF;
	_ =	strace $0x9FFFFFFF  }
0xc7: {  	(tm) =	ssettm $0x7FFFFFFF  }
tec
execute0_lowered:
.L_overlay_start_1:
0x0: {  	(tag) =	ssettag $0x1  }
0x1: {  	s1 =	rddreg [dreg:$0x0]  }
0x2: {  	s2 =	rddreg [dreg:$0x1]  }
0x3: {  	s5 =	rddreg [dreg:$0x3];
	s0 =	srdreg.scid;
	s6 =	simm.s32 $0x0  }
0x4: {  	s4 =	stileid.u32;
	s29 =	simm.s32 $0x6000;
	s30 =	simm.s32 $0xE000  }
0x5: {  	s31 =	simm.s32 $0x1;
	s28 =	simm.s32 $0x16000;
	s11 =	simm.s32 $0x8  }
0x6: {  	s12 =	simm.s32 $0x0;
	s0 =	sand.u32 $0x1, s0;
	s4 =	sshll.u32 s4, $0x14  }
0x7: {  	[smem:$0x7FF] =	sst s6;
	s3 =	ssub.s32 $0x2, s0;
	s0 =	sshll.u32 s0, $0x13  }
0x8: {  	_ =	strace $0x80000047;
	s8 =	sshrl.u32 s3, $0x1;
	s7 =	sor.u32 s0, s4  }
0x9: {  	s15 =	ssub.s32 s3, s8;
	s19 =	sshrl.u32 s7, $0x3;
	s16 =	sor.u32 $0x8000, s7  }
0xa: {  	s17 =	sor.u32 $0xA000, s7;
	s18 =	sor.u32 $0xC000, s7;
	s20 =	sadd.s32 s1, s19  }
0xb: {  	s21 =	sadd.s32 s2, s19;
	s22 =	sor.u32 $0x400, s19;
	[dreg:$0x5] =	wrdreg s20  }
0xc: {  	s24 =	sor.u32 $0x800, s19;
	s0 =	smax.u32 s15, $0x1;
	[dreg:$0x6] =	wrdreg s21  }
0xd: {  	s3 =	sor.u32 $0xC00, s19;
	s23 =	sadd.s32 s1, s22;
	[dreg:$0xd] =	wrdreg s0  }
0xe: {  	s19 =	sor.u32 $0xE000, s7;
	s4 =	sadd.s32 s2, s22;
	[dreg:$0x7] =	wrdreg s23  }
0xf: {  	s25 =	sadd.s32 s1, s24;
	s26 =	sadd.s32 s1, s3;
	[dreg:$0x8] =	wrdreg s4  }
.Ltmp0:
0x10: {  	s3 =	sadd.s32 s2, s3;
	[dreg:$0x9] =	wrdreg s25;
	(pc) =	sbr.rel .LBB2_1-.Ltmp0, $4  }
0x11: {  	s21 =	simm.s32 $0x18000;
	s0 =	simm.s32 $0x18080;
	[dreg:$0xb] =	wrdreg s26  }
0x12: {  	s4 =	sadd.s32 s2, s24;
	[dreg:$0xc] =	wrdreg s3;
	s3 =	simm.s32 $0x2  }
0x13: {  	s23 =	simm.s32 $0x12000;
	s24 =	simm.s32 $0x3;
	s25 =	simm.s32 $0x14000  }
0x14: {  	v0 =	vlaneseq.u32;
	v1 =	vimm.s32 $0x0;
	s26 =	simm.s32 $0x4;
	[dreg:$0xa] =	wrdreg s4;
	s4 =	simm.s32 $0x10000  }
.LBB2_14:
0x15: {  	s8 =	simm.s32 $0x5  }
0x16: {  	_ =	swait.ge [sflag:s8], $0x2000  }
0x17: {  	[sflag:s8] =	ssyncset.done $0x0  }
0x18: {  	s15 =	simm.s32 $0x6;
	[sflag:s8] =	ssyncadd.s32 $0xFFFFE000  }
0x19: {  	_ =	swait.ge [sflag:s15], $0x2000  }
0x1a: {  	[sflag:s15] =	ssyncset.done $0x0  }
0x1b: {  	s20 =	simm.s32 $0x7;
	[sflag:s15] =	ssyncadd.s32 $0xFFFFE000  }
0x1c: {  	_ =	swait.ge [sflag:s20], $0x2000  }
0x1d: {  	[sflag:s20] =	ssyncset.done $0x0  }
0x1e: {  	[sflag:s20] =	ssyncadd.s32 $0xFFFFE000  }
0x1f: {  	_ =	swait.ge [sflag:s11], $0x2000  }
0x20: {  	s12 =	sadd.s32 $0x1, s12;
	s22 =	rddreg [dreg:$0xd]  }
0x21: {  	p0 =	sne.s32 s12, s22  }
.Ltmp1:
0x22: {  	_ = 	snop;
	(pc) =	sbr.rel @!p0 .LBB2_15-.Ltmp1, $3  }
0x23: {  	_ =	sdelay $0x1  }
0x24: {  	[sflag:s11] =	ssyncset.done $0x0  }
0x25: {  	[sflag:s11] =	ssyncadd.s32 $0xFFFFE000  }
.LBB2_1:
0x26: {  	v2 =	vor.u32 s6, v0  }
0x27: {  	v3 =	vmulhi.u32 $0x38E38E39, v2;
	_ =	sdelay $0x1  }
0x28: {  	v3 =	vshrl.u32 v3, $0x1  }
0x29: {  	v4 =	vmul.u32 $0xFFFFFFF7, v3  }
0x2a: {  	v5 =	vmov s6;
	v6 =	vsub.s32 $0x0, v2  }
0x2b: {  	vm0 =	veq.s32 v5, v0;
	vm1 =	vne.s32 v4, v6  }
0x2c: {  	vm0 =	vmand vm0, vm1  }
0x2d: {  	v4 =	vsel vm0, $0xFFFFFFFF, v1  }
0x2e: {  	v3 =	vadd.s32 v4, v3  }
0x2f: {  	v4 =	vmul.u32 $0xFFFFFFF7, v3;
	_ =	sdelay $0x1  }
0x30: {  	vm10 =	vlt.s32 v3, $0xF;
	v2 =	vadd.s32 v2, v4  }
0x31: {  	v3 =	vnsel vm10, $0xF, v3;
	vm11 =	vlt.s32 v2, $0x7  }
0x32: {  	v3 =	vshll.u32 v3, $0x3;
	v2 =	vnsel vm11, $0x7, v2  }
0x33: {  	s8 =	rddreg [dreg:$0x2];
	s20 =	simm.s32 $0x9;
	v2 =	vadd.s32 v3, v2  }
0x34: {  	[tilespmem:s21], [sflag:$0x9] =	stream.linear.gather [hbm4b:s8+s6], $0x80, $0x38;
	[tilespmem:$0x18180] =	vst v63  }
0x35: {  	_ =	swait.ge [sflag:s20], $0x80  }
0x36: {  	[sflag:s20] =	ssyncset.done $0x0  }
0x37: {  	s22 =	simm.s32 $0x10;
	[sflag:s20] =	ssyncadd.s32 $0xFFFFFF80  }
0x38: {  	v3 =	vor.u32 s22, v0;
	v2 =	vld.idx.msk [tilespmem:v2+s21+$0x0], $0xffff  }
0x39: {  	v4 =	vmulhi.u32 $0x38E38E39, v3;
	_ =	sdelay $0x1  }
0x3a: {  	v4 =	vshrl.u32 v4, $0x1  }
0x3b: {  	v5 =	vmul.u32 $0xFFFFFFF7, v4  }
0x3c: {  	v63 =	vmov s22;
	v7 =	vsub.s32 $0x0, v3;
	v2 =	vmax.f32 v2, $-3.000000120e-01  }
0x3d: {  	vm12 =	veq.s32 v63, v0;
	vm13 =	vne.s32 v5, v7;
	v2 =	vmin.f32 v2, $3.000000120e-01  }
0x3e: {  	vm0 =	vmand vm12, vm13;
	v2 =	vmul.f32 $1.442695020e+00, v2  }
0x3f: {  	v5 =	vsel vm0, $0xFFFFFFFF, v1  }
0x40: {  	v4 =	vadd.s32 v5, v4;
	(erf) = vpow2.f32 v2  }
0x41: {  	v2 =	vmul.u32 $0xFFFFFFF7, v4;
	_ =	sdelay $0x1  }
0x42: {  	vm14 =	vlt.s32 v4, $0xF;
	v2 =	vadd.s32 v3, v2  }
0x43: {  	v3 =	vnsel vm14, $0xF, v4;
	vm15 =	vlt.s32 v2, $0x7  }
0x44: {  	v3 =	vshll.u32 v3, $0x3;
	v2 =	vnsel vm15, $0x7, v2  }
0x45: {  	v2 =	vadd.s32 v3, v2;
	_ =	sdelay $0x2  }
0x46: {  	v3 =	vpop (erf)  }
0x47: {  	s9 =	simm.s32 $0x20;
	[tilespmem:s0+$0x0] =	vst v3  }
0x48: {  	s10 =	simm.s32 $0x30;
	s8 =	simm.s32 $0x18080;
	v3 =	vld.idx.msk [tilespmem:v2+s21+$0x0], $0xffff;
	v2 =	vor.u32 s9, v0  }
.LBB2_2:
0x49: {  	p0 =	sne.s32 s10, $0x90;
	v4 =	vmulhi.u32 $0x38E38E39, v2;
	_ =	sdelay $0x1  }
0x4a: {  	v4 =	vshrl.u32 v4, $0x1  }
0x4b: {  	v5 =	vmul.u32 $0xFFFFFFF7, v4  }
0x4c: {  	v6 =	vmov s9;
	v7 =	vsub.s32 $0x0, v2;
	s9 =	smov.u32 s10;
	v3 =	vmax.f32 v3, $-3.000000120e-01  }
0x4d: {  	vm0 =	veq.s32 v6, v0;
	v3 =	vmin.f32 v3, $3.000000120e-01;
	vm1 =	vne.s32 v5, v7  }
0x4e: {  	v3 =	vmul.f32 $1.442695020e+00, v3;
	vm0 =	vmand vm0, vm1  }
0x4f: {  	v5 =	vsel vm0, $0xFFFFFFFF, v1  }
0x50: {  	v4 =	vadd.s32 v5, v4;
	(erf) = vpow2.f32 v3  }
0x51: {  	v3 =	vmul.u32 $0xFFFFFFF7, v4;
	_ =	sdelay $0x1  }
0x52: {  	vm0 =	vlt.s32 v4, $0xF;
	v2 =	vadd.s32 v2, v3  }
0x53: {  	v3 =	vnsel vm0, $0xF, v4;
	vm0 =	vlt.s32 v2, $0x7  }
0x54: {  	v3 =	vshll.u32 v3, $0x3;
	v2 =	vnsel vm0, $0x7, v2  }
0x55: {  	v2 =	vadd.s32 v3, v2;
	_ =	sdelay $0x1  }
.Ltmp2:
0x56: {  	(pc) =	sbr.rel @p0 .LBB2_2-.Ltmp2, $4  }
0x57: {  	s8 =	sadd.s32 $0x10, s8;
	v3 =	vpop (erf)  }
0x58: {  	[tilespmem:s8+$0x0] =	vst v3  }
0x59: {  	v3 =	vld.idx.msk [tilespmem:v2+s21+$0x0], $0xffff  }
0x5a: {  	s10 =	sadd.s32 $0x10, s10;
	v2 =	vor.u32 s9, v0  }
0x5b: {  	v4 =	vmulhi.u32 $0x38E38E39, v2;
	_ =	sdelay $0x1  }
0x5c: {  	v4 =	vshrl.u32 v4, $0x1  }
0x5d: {  	v5 =	vmul.u32 $0xFFFFFFF7, v4  }
0x5e: {  	v6 =	vmov s9;
	v7 =	vsub.s32 $0x0, v2;
	v3 =	vmax.f32 v3, $-3.000000120e-01  }
0x5f: {  	vm0 =	veq.s32 v6, v0;
	v3 =	vmin.f32 v3, $3.000000120e-01;
	vm1 =	vne.s32 v5, v7  }
0x60: {  	v3 =	vmul.f32 $1.442695020e+00, v3;
	vm0 =	vmand vm0, vm1  }
0x61: {  	v63 =	vsel vm0, $0xFFFFFFFF, v1  }
0x62: {  	(erf) = vpow2.f32 v3;
	v4 =	vadd.s32 v63, v4  }
0x63: {  	v3 =	vmul.u32 $0xFFFFFFF7, v4;
	_ =	sdelay $0x1  }
0x64: {  	vm14 =	vlt.s32 v4, $0xF;
	v2 =	vadd.s32 v2, v3  }
0x65: {  	v3 =	vnsel vm14, $0xF, v4;
	vm15 =	vlt.s32 v2, $0x7  }
0x66: {  	v3 =	vshll.u32 v3, $0x3;
	v2 =	vnsel vm15, $0x7, v2  }
0x67: {  	v2 =	vadd.s32 v3, v2;
	_ =	sdelay $0x2  }
0x68: {  	s8 =	sadd.s32 $0x10, s8;
	v3 =	vpop (erf)  }
0x69: {  	[tilespmem:s8+$0x0] =	vst v3  }
0x6a: {  	v2 =	vld.idx.msk [tilespmem:v2+s21+$0x0], $0xffff;
	_ =	sdelay $0x4  }
0x6b: {  	v2 =	vmax.f32 v2, $-3.000000120e-01  }
0x6c: {  	v2 =	vmin.f32 v2, $3.000000120e-01  }
0x6d: {  	v2 =	vmul.f32 $1.442695020e+00, v2;
	_ =	sdelay $0x1  }
0x6e: {  	(erf) = vpow2.f32 v2;
	_ =	sdelay $0x8  }
0x6f: {  	s8 =	sadd.s32 $0x10, s8;
	v2 =	vpop (erf)  }
0x70: {  	s13 =	simm.s32 $0x0;
	s22 =	rddreg [dreg:$0x5];
	[tilespmem:s8+$0x0] =	vst v2  }
0x71: {  	[tilespmem:s13], [sflag:$0x1] =	stream.linear.gather [hbm4b:s22+s13], $0x2000, $0x38;
	[tilespmem:$0x18180] =	vst v63  }
0x72: {  	s9 =	rddreg [dreg:$0x6];
	s10 =	simm.s32 $0x8000  }
0x73: {  	[tilespmem:s10], [sflag:$0x1] =	stream.linear.gather [hbm4b:s9+s13], $0x2000, $0x38;
	[tilespmem:$0x18180] =	vst v63  }
0x74: {  	s14 =	rddreg [dreg:$0x7];
	s15 =	simm.s32 $0x2000  }
0x75: {  	[tilespmem:s15], [sflag:$0x2] =	stream.linear.gather [hbm4b:s14+s13], $0x2000, $0x38;
	[tilespmem:$0x18180] =	vst v63  }
0x76: {  	s20 =	rddreg [dreg:$0x8];
	s22 =	simm.s32 $0xA000  }
0x77: {  	[tilespmem:s22], [sflag:$0x2] =	stream.linear.gather [hbm4b:s20+s13], $0x2000, $0x38;
	[tilespmem:$0x18180] =	vst v63  }
0x78: {  	s9 =	rddreg [dreg:$0x9];
	s10 =	simm.s32 $0x4000  }
0x79: {  	[tilespmem:s10], [sflag:$0x3] =	stream.linear.gather [hbm4b:s9+s13], $0x2000, $0x38;
	[tilespmem:$0x18180] =	vst v63  }
0x7a: {  	s14 =	rddreg [dreg:$0xa];
	s15 =	simm.s32 $0xC000  }
0x7b: {  	[tilespmem:s15], [sflag:$0x3] =	stream.linear.gather [hbm4b:s14+s13], $0x2000, $0x38;
	[tilespmem:$0x18180] =	vst v63  }
0x7c: {  	s20 =	rddreg [dreg:$0xb]  }
0x7d: {  	[tilespmem:s29], [sflag:$0x4] =	stream.linear.gather [hbm4b:s20+s13], $0x2000, $0x38;
	[tilespmem:$0x18180] =	vst v63  }
0x7e: {  	s22 =	rddreg [dreg:$0xc]  }
0x7f: {  	[tilespmem:s30], [sflag:$0x4] =	stream.linear.gather [hbm4b:s22+s13], $0x2000, $0x38;
	[tilespmem:$0x18180] =	vst v63  }
.LBB2_4:
0x80: {  	_ =	swait.ge [sflag:s31], $0x2000  }
0x81: {  	[sflag:s31] =	ssyncset.done $0x0  }
0x82: {  	[sflag:s31] =	ssyncadd.s32 $0xFFFFE000  }
0x83: {  	_ =	swait.ge [sflag:s31], $0x2000  }
0x84: {  	p0 =	seq.s32 s13, $0x0;
	[sflag:s31] =	ssyncset.done $0x0  }
0x85: {  	s8 =	simm.s32 @!p0 $0x5;
	[sflag:s31] =	ssyncadd.s32 $0xFFFFE000  }
0x86: {  	_ =	swait.ge @!p0 [sflag:s8], $0x2000  }
0x87: {  	[sflag:s8] =	ssyncset.done @!p0 $0x0  }
0x88: {  	s9 =	simm.s32 $0x80;
	[sflag:s8] =	ssyncadd.s32 @!p0 $0xFFFFE000  }
0x89: {  	v2 =	vld [tilespmem:s9+$0x70]  }
0x8a: {  	s20 =	simm.s32 $0x8080;
	v3 =	vld [tilespmem:s9+$0xFFFFFF90]  }
0x8b: {  	v4 =	vld [tilespmem:s20+$0x70]  }
0x8c: {  	v5 =	vld [tilespmem:s9+$0xFFFFFFA0]  }
0x8d: {  	v6 =	vld [tilespmem:s9+$0xFFFFFFB0]  }
0x8e: {  	v7 =	vld [tilespmem:s9+$0xFFFFFFC0]  }
0x8f: {  	v8 =	vld [tilespmem:s9+$0xFFFFFFD0]  }
0x90: {  	v9 =	vld [tilespmem:s9+$0xFFFFFFE0]  }
0x91: {  	v10 =	vld [tilespmem:s9+$0xFFFFFFF0]  }
0x92: {  	v11 =	vld [tilespmem:s9+$0x0]  }
0x93: {  	v12 =	vld [tilespmem:s9+$0x10]  }
0x94: {  	v13 =	vld [tilespmem:s9+$0x20]  }
0x95: {  	v14 =	vld [tilespmem:s9+$0x30]  }
0x96: {  	v15 =	vld [tilespmem:s9+$0x40]  }
0x97: {  	v16 =	vld [tilespmem:s9+$0x50]  }
0x98: {  	v17 =	vld [tilespmem:s9+$0x60]  }
0x99: {  	v18 =	vld [tilespmem:s9+$0xFFFFFF80]  }
0x9a: {  	v19 =	vld [tilespmem:s20+$0xFFFFFF80]  }
0x9b: {  	v20 =	vld [tilespmem:s20+$0xFFFFFF90]  }
0x9c: {  	v21 =	vld [tilespmem:s20+$0xFFFFFFA0]  }
0x9d: {  	v22 =	vld [tilespmem:s20+$0xFFFFFFB0]  }
0x9e: {  	v23 =	vld [tilespmem:s20+$0xFFFFFFC0]  }
0x9f: {  	v24 =	vld [tilespmem:s20+$0xFFFFFFD0]  }
0xa0: {  	v25 =	vld [tilespmem:s20+$0xFFFFFFE0]  }
0xa1: {  	v26 =	vld [tilespmem:s20+$0xFFFFFFF0]  }
0xa2: {  	v27 =	vld [tilespmem:s20+$0x0]  }
0xa3: {  	v28 =	vld [tilespmem:s20+$0x10]  }
0xa4: {  	v29 =	vld [tilespmem:s20+$0x20]  }
0xa5: {  	v30 =	vld [tilespmem:s20+$0x30];
	v2 =	vmul.f32 $2.546478990e+00, v2  }
0xa6: {  	v31 =	vld [tilespmem:s20+$0x40];
	v3 =	vmul.f32 $2.546478990e+00, v3;
	v4 =	vmul.f32 $2.546478990e+00, v4  }
0xa7: {  	v32 =	vld [tilespmem:s20+$0x50];
	v5 =	vmul.f32 $2.546478990e+00, v5;
	v6 =	vmul.f32 $2.546478990e+00, v6  }
0xa8: {  	s22 =	simm.s32 $0x180;
	v33 =	vld [tilespmem:s20+$0x60];
	v7 =	vmul.f32 $2.546478990e+00, v7;
	v8 =	vmul.f32 $2.546478990e+00, v8  }
0xa9: {  	s15 =	simm.s32 $0x8180;
	v34 =	vld [tilespmem:s22+$0xFFFFFF90];
	v9 =	vmul.f32 $2.546478990e+00, v9;
	v10 =	vmul.f32 $2.546478990e+00, v10  }
0xaa: {  	v35 =	vld [tilespmem:s15+$0x70];
	v11 =	vmul.f32 $2.546478990e+00, v11;
	v12 =	vmul.f32 $2.546478990e+00, v12  }
0xab: {  	v36 =	vld [tilespmem:s22+$0xFFFFFFA0];
	v13 =	vmul.f32 $2.546478990e+00, v13;
	v14 =	vmul.f32 $2.546478990e+00, v14  }
0xac: {  	v37 =	vld [tilespmem:s22+$0xFFFFFFB0];
	v15 =	vmul.f32 $2.546478990e+00, v15;
	v16 =	vmul.f32 $2.546478990e+00, v16  }
0xad: {  	v38 =	vld [tilespmem:s22+$0xFFFFFFC0];
	v17 =	vmul.f32 $2.546478990e+00, v17;
	v18 =	vmul.f32 $2.546478990e+00, v18  }
0xae: {  	v39 =	vld [tilespmem:s22+$0xFFFFFFD0];
	v19 =	vmul.f32 $2.546478990e+00, v19;
	v20 =	vmul.f32 $2.546478990e+00, v20  }
0xaf: {  	v40 =	vld [tilespmem:s22+$0xFFFFFFE0];
	v21 =	vmul.f32 $2.546478990e+00, v21;
	v22 =	vmul.f32 $2.546478990e+00, v22  }
0xb0: {  	v41 =	vld [tilespmem:s22+$0xFFFFFFF0];
	v23 =	vmul.f32 $2.546478990e+00, v23;
	v24 =	vmul.f32 $2.546478990e+00, v24  }
0xb1: {  	v42 =	vld [tilespmem:s22+$0x0];
	v25 =	vmul.f32 $2.546478990e+00, v25;
	v26 =	vmul.f32 $2.546478990e+00, v26  }
0xb2: {  	v43 =	vld [tilespmem:s22+$0x10];
	v27 =	vmul.f32 $2.546478990e+00, v27;
	v28 =	vmul.f32 $2.546478990e+00, v28  }
0xb3: {  	v44 =	vld [tilespmem:s22+$0x20];
	v29 =	vmul.f32 $2.546478990e+00, v29;
	v30 =	vmul.f32 $2.546478990e+00, v30  }
0xb4: {  	v45 =	vld [tilespmem:s22+$0x30];
	v31 =	vmul.f32 $2.546478990e+00, v31;
	v32 =	vmul.f32 $2.546478990e+00, v32  }
0xb5: {  	v55 =	vld [tilespmem:s22+$0x40];
	v33 =	vmul.f32 $2.546478990e+00, v33;
	v34 =	vmul.f32 $2.546478990e+00, v34  }
0xb6: {  	v46 =	vld [tilespmem:s22+$0x50];
	v35 =	vmul.f32 $2.546478990e+00, v35;
	v36 =	vmul.f32 $2.546478990e+00, v36  }
0xb7: {  	v47 =	vld [tilespmem:s22+$0x60];
	v37 =	vmul.f32 $2.546478990e+00, v37;
	v38 =	vmul.f32 $2.546478990e+00, v38  }
0xb8: {  	v58 =	vld [tilespmem:s15+$0x30];
	v39 =	vmul.f32 $2.546478990e+00, v39;
	v40 =	vmul.f32 $2.546478990e+00, v40  }
0xb9: {  	v54 =	vmul.f32 $2.546478990e+00, v41;
	v42 =	vmul.f32 $2.546478990e+00, v42  }
0xba: {  	v43 =	vmul.f32 $2.546478990e+00, v43;
	v44 =	vmul.f32 $2.546478990e+00, v44  }
0xbb: {  	v45 =	vmul.f32 $2.546478990e+00, v45;
	v41 =	vmul.f32 $2.546478990e+00, v55  }
0xbc: {  	v46 =	vmul.f32 $2.546478990e+00, v46;
	v47 =	vmul.f32 $2.546478990e+00, v47  }
0xbd: {  	v52 =	vmul.f32 $2.546478990e+00, v58;
	v2 =	vtrunc.f32 v2  }
0xbe: {  	v4 =	vtrunc.f32 v4;
	v3 =	vtrunc.f32 v3  }
0xbf: {  	v5 =	vtrunc.f32 v5;
	v6 =	vtrunc.f32 v6  }
0xc0: {  	v7 =	vtrunc.f32 v7;
	v8 =	vtrunc.f32 v8  }
0xc1: {  	v9 =	vtrunc.f32 v9;
	v10 =	vtrunc.f32 v10  }
0xc2: {  	v11 =	vtrunc.f32 v11;
	v12 =	vtrunc.f32 v12  }
0xc3: {  	v13 =	vtrunc.f32 v13;
	v14 =	vtrunc.f32 v14  }
0xc4: {  	v62 =	vld [tilespmem:s22+$0x70];
	v15 =	vtrunc.f32 v15;
	v16 =	vtrunc.f32 v16  }
0xc5: {  	v18 =	vtrunc.f32 v18;
	v17 =	vtrunc.f32 v17  }
0xc6: {  	v19 =	vtrunc.f32 v19;
	v20 =	vtrunc.f32 v20  }
0xc7: {  	v21 =	vtrunc.f32 v21;
	v22 =	vtrunc.f32 v22  }
0xc8: {  	v23 =	vtrunc.f32 v23;
	v24 =	vtrunc.f32 v24  }
0xc9: {  	v61 =	vtrunc.f32 v33;
	v33 =	vmul.f32 $2.546478990e+00, v62  }
0xca: {  	v35 =	vtrunc.f32 v35;
	v34 =	vtrunc.f32 v34  }
0xcb: {  	v36 =	vtrunc.f32 v36;
	v63 =	vtrunc.f32 v37  }
0xcc: {  	v38 =	vtrunc.f32 v38;
	v39 =	vtrunc.f32 v39  }
0xcd: {  	v40 =	vtrunc.f32 v40;
	v37 =	vtrunc.f32 v54  }
0xce: {  	v42 =	vtrunc.f32 v42;
	v43 =	vtrunc.f32 v43  }
0xcf: {  	v44 =	vtrunc.f32 v44;
	v45 =	vtrunc.f32 v45  }
0xd0: {  	v41 =	vtrunc.f32 v41;
	v46 =	vtrunc.f32 v46  }
0xd1: {  	v47 =	vtrunc.f32 v47;
	v2 =	vcvt.f32.s32 v2  }
0xd2: {  	v4 =	vcvt.f32.s32 v4;
	v18 =	vcvt.f32.s32 v18  }
0xd3: {  	v3 =	vcvt.f32.s32 v3;
	v5 =	vcvt.f32.s32 v5  }
0xd4: {  	v6 =	vcvt.f32.s32 v6;
	v7 =	vcvt.f32.s32 v7  }
0xd5: {  	v8 =	vcvt.f32.s32 v8;
	v9 =	vcvt.f32.s32 v9  }
0xd6: {  	v10 =	vcvt.f32.s32 v10;
	v11 =	vcvt.f32.s32 v11  }
0xd7: {  	v12 =	vcvt.f32.s32 v12;
	v13 =	vcvt.f32.s32 v13  }
0xd8: {  	v14 =	vcvt.f32.s32 v14;
	v15 =	vcvt.f32.s32 v15  }
0xd9: {  	v16 =	vcvt.f32.s32 v16;
	v17 =	vcvt.f32.s32 v17  }
0xda: {  	v19 =	vcvt.f32.s32 v19;
	v20 =	vcvt.f32.s32 v20  }
0xdb: {  	v21 =	vcvt.f32.s32 v21;
	v22 =	vcvt.f32.s32 v22  }
0xdc: {  	v23 =	vcvt.f32.s32 v23;
	v24 =	vcvt.f32.s32 v24  }
0xdd: {  	v35 =	vcvt.f32.s32 v35;
	v62 =	vcvt.f32.s32 v42  }
0xde: {  	v43 =	vcvt.f32.s32 v43;
	v44 =	vcvt.f32.s32 v44  }
0xdf: {  	v45 =	vcvt.f32.s32 v45;
	v41 =	vcvt.f32.s32 v41  }
0xe0: {  	v46 =	vcvt.f32.s32 v46;
	v47 =	vcvt.f32.s32 v47  }
0xe1: {  	v33 =	vtrunc.f32 v33;
	v2 =	vmul.u32 $0x9, v2;
	v18 =	vmul.u32 $0x9, v18  }
0xe2: {  	v3 =	vmul.u32 $0x9, v3;
	v5 =	vmul.u32 $0x9, v5;
	v6 =	vmul.u32 $0x9, v6  }
0xe3: {  	v7 =	vmul.u32 $0x9, v7;
	v8 =	vmul.u32 $0x9, v8;
	v9 =	vmul.u32 $0x9, v9  }
0xe4: {  	v10 =	vmul.u32 $0x9, v10;
	v33 =	vcvt.f32.s32 v33;
	v11 =	vmul.u32 $0x9, v11  }
0xe5: {  	v12 =	vmul.u32 $0x9, v12;
	v13 =	vmul.u32 $0x9, v13;
	v14 =	vmul.u32 $0x9, v14  }
0xe6: {  	v48 =	vld [tilespmem:s22+$0xFFFFFF80];
	v2 =	vadd.s32 v4, v2;
	v4 =	vtrunc.f32 v25;
	v25 =	vtrunc.f32 v26  }
0xe7: {  	v56 =	vld [tilespmem:s15+$0xFFFFFFB0];
	v15 =	vmul.u32 $0x9, v15;
	v26 =	vtrunc.f32 v27;
	v27 =	vtrunc.f32 v28  }
0xe8: {  	v57 =	vld [tilespmem:s15+$0x20];
	v16 =	vmul.u32 $0x9, v16;
	v28 =	vtrunc.f32 v29;
	v29 =	vtrunc.f32 v30  }
0xe9: {  	v59 =	vld [tilespmem:s15+$0x40];
	v17 =	vmul.u32 $0x9, v17;
	v30 =	vtrunc.f32 v31;
	v31 =	vtrunc.f32 v32  }
0xea: {  	v32 =	vcvt.f32.s32 v61;
	v18 =	vadd.s32 v19, v18;
	v19 =	vld [tilespmem:s15+$0xFFFFFF80];
	v20 =	vadd.s32 v20, v3  }
0xeb: {  	v3 =	vld [tilespmem:s15+$0xFFFFFF90];
	v6 =	vadd.s32 v22, v6;
	v22 =	vmul.f32 $2.546478990e+00, v48;
	v4 =	vcvt.f32.s32 v4  }
0xec: {  	v21 =	vadd.s32 v21, v5;
	v5 =	vld [tilespmem:s15+$0xFFFFFFA0];
	v25 =	vcvt.f32.s32 v25;
	v26 =	vcvt.f32.s32 v26  }
0xed: {  	v7 =	vadd.s32 v23, v7;
	v23 =	vld [tilespmem:s15+$0xFFFFFFC0];
	v27 =	vcvt.f32.s32 v27;
	v28 =	vcvt.f32.s32 v28  }
0xee: {  	v33 =	vmul.u32 $0x9, v33;
	v61 =	vld [tilespmem:s15+$0x60];
	v29 =	vcvt.f32.s32 v29;
	v30 =	vcvt.f32.s32 v30  }
0xef: {  	v24 =	vadd.s32 v24, v8;
	v31 =	vcvt.f32.s32 v31;
	v8 =	vtrunc.f32 v22;
	v22 =	vld [tilespmem:s15+$0xFFFFFFD0]  }
0xf0: {  	v33 =	vadd.s32 v35, v33;
	v60 =	vadd.s32 v32, v17;
	v49 =	vadd.s32 v4, v9;
	v9 =	vld [tilespmem:s15+$0x0]  }
0xf1: {  	v17 =	vcvt.f32.s32 v37;
	v4 =	vcvt.f32.s32 v8;
	v12 =	vadd.s32 v27, v12;
	v27 =	vld [tilespmem:s15+$0x10]  }
0xf2: {  	v26 =	vadd.s32 v26, v11;
	v8 =	vcvt.f32.s32 v34;
	v11 =	vmul.f32 $2.546478990e+00, v56;
	v2 =	vld.idx.msk [tilespmem:v2+s0+$0x0], $0xffff  }
0xf3: {  	v25 =	vadd.s32 v25, v10;
	v10 =	vcvt.f32.s32 v36;
	v50 =	vmul.f32 $2.546478990e+00, v3;
	v3 =	vld [tilespmem:s15+$0xFFFFFFE0]  }
0xf4: {  	v28 =	vadd.s32 v28, v13;
	v13 =	vcvt.f32.s32 v63;
	v51 =	vmul.f32 $2.546478990e+00, v5;
	v5 =	vld [tilespmem:s15+$0xFFFFFFF0]  }
0xf5: {  	v29 =	vadd.s32 v29, v14;
	v14 =	vcvt.f32.s32 v38;
	v30 =	vadd.s32 v30, v15;
	v18 =	vld.idx.msk [tilespmem:v18+s0+$0x0], $0xffff  }
0xf6: {  	v15 =	vcvt.f32.s32 v39;
	v16 =	vadd.s32 v31, v16;
	v31 =	vcvt.f32.s32 v40;
	v20 =	vld.idx.msk [tilespmem:v20+s0+$0x0], $0xffff  }
0xf7: {  	v63 =	vmul.f32 $2.546478990e+00, v57;
	v39 =	vmul.f32 $2.546478990e+00, v59;
	v21 =	vld.idx.msk [tilespmem:v21+s0+$0x0], $0xffff  }
0xf8: {  	v19 =	vmul.f32 $2.546478990e+00, v19;
	v23 =	vmul.f32 $2.546478990e+00, v23;
	v6 =	vld.idx.msk [tilespmem:v6+s0+$0x0], $0xffff  }
0xf9: {  	v54 =	vmul.f32 $2.546478990e+00, v61;
	v24 =	vld.idx.msk [tilespmem:v24+s0+$0x0], $0xffff;
	v22 =	vmul.f32 $2.546478990e+00, v22  }
0xfa: {  	v33 =	vld.idx.msk [tilespmem:v33+s0+$0x0], $0xffff;
	v50 =	vtrunc.f32 v50;
	v51 =	vtrunc.f32 v51  }
0xfb: {  	v34 =	vtrunc.f32 v23;
	v40 =	vmul.f32 $2.546478990e+00, v9;
	v9 =	vld [tilespmem:s15+$0x50]  }
0xfc: {  	s22 =	simm.s32 $0x10080;
	v23 =	vtrunc.f32 v54;
	v27 =	vmul.f32 $2.546478990e+00, v27;
	v55 =	vld.idx.msk [tilespmem:v25+s0+$0x0], $0xffff  }
0xfd: {  	v56 =	vld.idx.msk [tilespmem:v26+s0+$0x0], $0xffff;
	v26 =	vtrunc.f32 v63;
	v25 =	vtrunc.f32 v39;
	[tilespmem:s22+$0x70] =	vst v2  }
0xfe: {  	v36 =	vld.idx.msk [tilespmem:v12+s0+$0x0], $0xffff;
	v12 =	vmul.u32 $0x9, v46;
	v37 =	vcvt.f32.s32 v50;
	v35 =	vmul.f32 $2.546478990e+00, v3;
	[tilespmem:s22+$0xFFFFFF80] =	vst v18  }
0xff: {  	v49 =	vld.idx.msk [tilespmem:v49+s0+$0x0], $0xffff;
	v38 =	vmul.f32 $2.546478990e+00, v5;
	v3 =	vmul.u32 $0x9, v4;
	v4 =	vmul.u32 $0x9, v8;
	[tilespmem:s22+$0xFFFFFF90] =	vst v20  }
0x100: {  	v5 =	vmul.u32 $0x9, v10;
	v8 =	vmul.u32 $0x9, v13;
	v13 =	vmul.u32 $0x9, v14;
	[tilespmem:s22+$0xFFFFFFA0] =	vst v21  }
0x101: {  	v14 =	vmul.u32 $0x9, v15;
	v10 =	vmul.u32 $0x9, v17;
	v18 =	vtrunc.f32 v11;
	[tilespmem:s22+$0xFFFFFFB0] =	vst v6  }
0x102: {  	s20 =	simm.s32 $0x10180;
	v2 =	vld.idx.msk [tilespmem:v7+s0+$0x0], $0xffff;
	v11 =	vmul.u32 $0x9, v62;
	v15 =	vmul.u32 $0x9, v43;
	v32 =	vtrunc.f32 v40;
	[tilespmem:s22+$0xFFFFFFD0] =	vst v24  }
0x103: {  	v7 =	vmul.u32 $0x9, v44;
	v21 =	vtrunc.f32 v27;
	v27 =	vld.idx.msk [tilespmem:v29+s0+$0x0], $0xffff;
	[tilespmem:s20+$0x70] =	vst v33;
	v33 =	vtrunc.f32 v35  }
0x104: {  	v6 =	vmul.u32 $0x9, v41;
	v20 =	vtrunc.f32 v38;
	v35 =	vld.idx.msk [tilespmem:v28+s0+$0x0], $0xffff;
	v53 =	vmul.f32 $2.546478990e+00, v9;
	[tilespmem:s22+$0xFFFFFFE0] =	vst v49  }
0x105: {  	v29 =	vld.idx.msk [tilespmem:v30+s0+$0x0], $0xffff;
	v9 =	vmul.u32 $0x9, v31;
	v31 =	vtrunc.f32 v19;
	v19 =	vtrunc.f32 v22;
	[tilespmem:s22+$0xFFFFFFF0] =	vst v55  }
0x106: {  	v30 =	vld.idx.msk [tilespmem:v16+s0+$0x0], $0xffff;
	v16 =	vmul.u32 $0x9, v47;
	v22 =	vtrunc.f32 v52;
	[tilespmem:s22+$0x0] =	vst v56;
	v17 =	vcvt.f32.s32 v31  }
0x107: {  	s14 =	sshll.u32 s13, $0xF;
	s8 =	simm.s32 $0x10;
	s9 =	simm.s32 $0x280;
	v28 =	vld.idx.msk [tilespmem:v60+s0+$0x0], $0xffff;
	v31 =	vcvt.f32.s32 v51;
	[tilespmem:s22+$0xFFFFFFC0] =	vst v2;
	v2 =	vmul.u32 $0x9, v45;
	v24 =	vtrunc.f32 v53  }
.LBB2_5:
0x108: {  	v38 =	vld [tilespmem:s9+$0x70];
	s8 =	sadd.s32 $0x10, s8;
	v17 =	vadd.s32 v17, v3;
	v3 =	vcvt.f32.s32 v18;
	v34 =	vcvt.f32.s32 v34;
	[tilespmem:s22+$0x10] =	vst v36  }
0x109: {  	v33 =	vcvt.f32.s32 v33;
	s15 =	sadd.s32 $0x100, s15;
	v36 =	vld [tilespmem:s9+$0xFFFFFF90];
	p1 =	slt.u32 s8, $0x1F0;
	v18 =	vadd.s32 v37, v4;
	v4 =	vcvt.f32.s32 v19;
	[tilespmem:s22+$0x20] =	vst v35  }
0x10a: {  	v19 =	vadd.s32 v31, v5;
	v5 =	vcvt.f32.s32 v20;
	v31 =	vcvt.f32.s32 v32;
	v35 =	vld [tilespmem:s15+$0x70];
	[tilespmem:s22+$0x30] =	vst v27  }
0x10b: {  	v20 =	vadd.s32 v3, v8;
	v3 =	vcvt.f32.s32 v21;
	v8 =	vcvt.f32.s32 v26;
	v27 =	vld [tilespmem:s9+$0xFFFFFFA0];
	[tilespmem:s22+$0x40] =	vst v29  }
0x10c: {  	v32 =	vcvt.f32.s32 v25;
	v21 =	vadd.s32 v34, v13;
	v13 =	vcvt.f32.s32 v22;
	v29 =	vld [tilespmem:s9+$0xFFFFFFB0];
	[tilespmem:s22+$0x50] =	vst v30  }
0x10d: {  	v22 =	vadd.s32 v4, v14;
	v4 =	vcvt.f32.s32 v24;
	v30 =	vld [tilespmem:s9+$0xFFFFFFC0];
	v26 =	vmul.f32 $2.546478990e+00, v38;
	[tilespmem:s22+$0x60] =	vst v28;
	s22 =	smov.u32 s20  }
0x10e: {  	v25 =	vadd.s32 v33, v9;
	v9 =	vcvt.f32.s32 v23;
	v14 =	vmul.f32 $2.546478990e+00, v36;
	v28 =	vld [tilespmem:s9+$0xFFFFFFD0]  }
0x10f: {  	v33 =	vld [tilespmem:s9+$0xFFFFFFE0];
	v23 =	vtrunc.f32 v26;
	v24 =	vmul.f32 $2.546478990e+00, v35;
	v26 =	vadd.s32 v5, v10  }
0x110: {  	v5 =	vmul.f32 $2.546478990e+00, v27;
	v10 =	vld [tilespmem:s9+$0xFFFFFFF0];
	v27 =	vcvt.f32.s32 v23;
	v23 =	vadd.s32 v31, v11  }
0x111: {  	v11 =	vmul.f32 $2.546478990e+00, v29;
	v31 =	vld [tilespmem:s9+$0x0];
	v29 =	vtrunc.f32 v24;
	v24 =	vadd.s32 v3, v15  }
0x112: {  	v3 =	vmul.f32 $2.546478990e+00, v30;
	v15 =	vld [tilespmem:s9+$0x10];
	v29 =	vcvt.f32.s32 v29;
	v30 =	vmul.u32 $0x9, v27  }
0x113: {  	v14 =	vtrunc.f32 v14;
	v27 =	vadd.s32 v8, v7;
	v28 =	vmul.f32 $2.546478990e+00, v28;
	v34 =	vld [tilespmem:s9+$0x20]  }
0x114: {  	v5 =	vtrunc.f32 v5;
	v7 =	vmul.f32 $2.546478990e+00, v33;
	v8 =	vld [tilespmem:s9+$0x30];
	v33 =	vadd.s32 v29, v30  }
0x115: {  	v11 =	vtrunc.f32 v11;
	v29 =	vadd.s32 v13, v2;
	v10 =	vmul.f32 $2.546478990e+00, v10;
	v35 =	vld [tilespmem:s9+$0x40]  }
0x116: {  	v2 =	vtrunc.f32 v3;
	v30 =	vadd.s32 v32, v6;
	v3 =	vmul.f32 $2.546478990e+00, v31;
	v13 =	vld [tilespmem:s9+$0x50]  }
0x117: {  	v6 =	vtrunc.f32 v28;
	v31 =	vadd.s32 v4, v12;
	v15 =	vmul.f32 $2.546478990e+00, v15;
	v32 =	vld [tilespmem:s9+$0x60]  }
0x118: {  	v28 =	vadd.s32 v9, v16;
	v7 =	vtrunc.f32 v7;
	v4 =	vld [tilespmem:s9+$0xFFFFFF80];
	v12 =	vmul.f32 $2.546478990e+00, v34  }
0x119: {  	v9 =	vtrunc.f32 v10;
	v8 =	vmul.f32 $2.546478990e+00, v8;
	v10 =	vld.idx.msk [tilespmem:v33+s0+$0x0], $0xffff  }
0x11a: {  	v33 =	vtrunc.f32 v3;
	v16 =	vld [tilespmem:s15+$0xFFFFFF80];
	v3 =	vmul.f32 $2.546478990e+00, v35  }
0x11b: {  	v15 =	vtrunc.f32 v15;
	v34 =	vld [tilespmem:s15+$0xFFFFFF90];
	v13 =	vmul.f32 $2.546478990e+00, v13  }
0x11c: {  	v12 =	vtrunc.f32 v12;
	v35 =	vld [tilespmem:s15+$0xFFFFFFA0];
	v32 =	vmul.f32 $2.546478990e+00, v32  }
0x11d: {  	v37 =	vtrunc.f32 v8;
	v4 =	vmul.f32 $2.546478990e+00, v4;
	v36 =	vld [tilespmem:s15+$0xFFFFFFB0]  }
0x11e: {  	s20 =	sadd.s32 $0x100, s20;
	v38 =	vtrunc.f32 v3;
	v39 =	vtrunc.f32 v13;
	v8 =	vld [tilespmem:s15+$0xFFFFFFC0]  }
0x11f: {  	v32 =	vtrunc.f32 v32;
	v3 =	vtrunc.f32 v4;
	v13 =	vld [tilespmem:s15+$0xFFFFFFD0];
	[tilespmem:s20+$0x70] =	vst v10  }
0x120: {  	v16 =	vmul.f32 $2.546478990e+00, v16;
	v34 =	vmul.f32 $2.546478990e+00, v34;
	v10 =	vld [tilespmem:s15+$0xFFFFFFE0]  }
0x121: {  	v3 =	vcvt.f32.s32 v3;
	v35 =	vmul.f32 $2.546478990e+00, v35;
	v40 =	vld [tilespmem:s15+$0xFFFFFFF0]  }
0x122: {  	v4 =	vcvt.f32.s32 v14;
	v36 =	vmul.f32 $2.546478990e+00, v36;
	v14 =	vld [tilespmem:s15+$0x0]  }
0x123: {  	v5 =	vcvt.f32.s32 v5;
	v3 =	vmul.u32 $0x9, v3;
	v41 =	vmul.f32 $2.546478990e+00, v8;
	v42 =	vld [tilespmem:s15+$0x10]  }
0x124: {  	v4 =	vmul.u32 $0x9, v4;
	v8 =	vcvt.f32.s32 v11;
	v43 =	vmul.f32 $2.546478990e+00, v13;
	v11 =	vld [tilespmem:s15+$0x20]  }
0x125: {  	v5 =	vmul.u32 $0x9, v5;
	v2 =	vcvt.f32.s32 v2;
	v44 =	vmul.f32 $2.546478990e+00, v10;
	v45 =	vld [tilespmem:s15+$0x30]  }
0x126: {  	v6 =	vcvt.f32.s32 v6;
	v8 =	vmul.u32 $0x9, v8;
	v40 =	vmul.f32 $2.546478990e+00, v40;
	v46 =	vld [tilespmem:s15+$0x40]  }
0x127: {  	v13 =	vmul.u32 $0x9, v2;
	v2 =	vcvt.f32.s32 v7;
	v47 =	vmul.f32 $2.546478990e+00, v14;
	v7 =	vld [tilespmem:s15+$0x50]  }
0x128: {  	v14 =	vmul.u32 $0x9, v6;
	v6 =	vcvt.f32.s32 v9;
	v42 =	vmul.f32 $2.546478990e+00, v42;
	v48 =	vld [tilespmem:s15+$0x60]  }
0x129: {  	v9 =	vmul.u32 $0x9, v2;
	v2 =	vcvt.f32.s32 v33;
	v49 =	vmul.f32 $2.546478990e+00, v11;
	v17 =	vld.idx.msk [tilespmem:v17+s0+$0x0], $0xffff  }
0x12a: {  	v10 =	vmul.u32 $0x9, v6;
	v6 =	vcvt.f32.s32 v15;
	v45 =	vmul.f32 $2.546478990e+00, v45;
	v33 =	vld.idx.msk [tilespmem:v18+s0+$0x0], $0xffff  }
0x12b: {  	v11 =	vmul.u32 $0x9, v2;
	v2 =	vcvt.f32.s32 v12;
	v46 =	vmul.f32 $2.546478990e+00, v46;
	v50 =	vld.idx.msk [tilespmem:v19+s0+$0x0], $0xffff  }
0x12c: {  	v15 =	vmul.u32 $0x9, v6;
	v6 =	vcvt.f32.s32 v37;
	v37 =	vmul.f32 $2.546478990e+00, v7;
	v51 =	vld.idx.msk [tilespmem:v20+s0+$0x0], $0xffff  }
0x12d: {  	v12 =	vcvt.f32.s32 v38;
	v7 =	vmul.u32 $0x9, v2;
	v38 =	vmul.f32 $2.546478990e+00, v48;
	v48 =	vld.idx.msk [tilespmem:v21+s0+$0x0], $0xffff  }
0x12e: {  	v19 =	vcvt.f32.s32 v39;
	v20 =	vcvt.f32.s32 v32;
	v2 =	vmul.u32 $0x9, v6;
	v39 =	vld.idx.msk [tilespmem:v22+s0+$0x0], $0xffff  }
0x12f: {  	v52 =	vtrunc.f32 v16;
	v53 =	vtrunc.f32 v34;
	v6 =	vmul.u32 $0x9, v12;
	[tilespmem:s22+$0xFFFFFF80] =	vst v17;
	v17 =	vld.idx.msk [tilespmem:v25+s0+$0x0], $0xffff  }
0x130: {  	v54 =	vtrunc.f32 v35;
	v18 =	vtrunc.f32 v36;
	v12 =	vmul.u32 $0x9, v19;
	[tilespmem:s22+$0xFFFFFF90] =	vst v33;
	v55 =	vld.idx.msk [tilespmem:v26+s0+$0x0], $0xffff  }
0x131: {  	v34 =	vtrunc.f32 v41;
	v19 =	vtrunc.f32 v43;
	v16 =	vmul.u32 $0x9, v20;
	[tilespmem:s22+$0xFFFFFFA0] =	vst v50;
	v41 =	vld.idx.msk [tilespmem:v23+s0+$0x0], $0xffff  }
0x132: {  	v20 =	vtrunc.f32 v40;
	v33 =	vtrunc.f32 v44;
	[tilespmem:s22+$0xFFFFFFB0] =	vst v51;
	v36 =	vld.idx.msk [tilespmem:v24+s0+$0x0], $0xffff  }
.Ltmp3:
0x133: {  	v32 =	vtrunc.f32 v47;
	v21 =	vtrunc.f32 v42;
	[tilespmem:s22+$0xFFFFFFC0] =	vst v48;
	v35 =	vld.idx.msk [tilespmem:v27+s0+$0x0], $0xffff;
	(pc) =	sbr.rel @p1 .LBB2_5-.Ltmp3, $4  }
0x134: {  	v22 =	vtrunc.f32 v45;
	v26 =	vtrunc.f32 v49;
	[tilespmem:s22+$0xFFFFFFD0] =	vst v39;
	v27 =	vld.idx.msk [tilespmem:v29+s0+$0x0], $0xffff  }
0x135: {  	v25 =	vtrunc.f32 v46;
	v24 =	vtrunc.f32 v37;
	[tilespmem:s22+$0xFFFFFFE0] =	vst v17;
	v29 =	vld.idx.msk [tilespmem:v30+s0+$0x0], $0xffff  }
0x136: {  	v23 =	vtrunc.f32 v38;
	v17 =	vcvt.f32.s32 v52;
	[tilespmem:s22+$0xFFFFFFF0] =	vst v55;
	v30 =	vld.idx.msk [tilespmem:v31+s0+$0x0], $0xffff  }
0x137: {  	s9 =	sadd.s32 $0x100, s9;
	v37 =	vcvt.f32.s32 v53;
	v31 =	vcvt.f32.s32 v54;
	[tilespmem:s22+$0x0] =	vst v41;
	v28 =	vld.idx.msk [tilespmem:v28+s0+$0x0], $0xffff  }
0x138: {  	v3 =	vadd.s32 v17, v3  }
0x139: {  	v17 =	vcvt.f32.s32 v18;
	v4 =	vadd.s32 v37, v4  }
0x13a: {  	v18 =	vcvt.f32.s32 v34;
	v5 =	vadd.s32 v31, v5  }
0x13b: {  	v19 =	vcvt.f32.s32 v19;
	v8 =	vadd.s32 v17, v8  }
0x13c: {  	[tilespmem:s22+$0x10] =	vst v36;
	v17 =	vcvt.f32.s32 v33;
	v13 =	vadd.s32 v18, v13  }
0x13d: {  	[tilespmem:s22+$0x20] =	vst v35;
	v18 =	vcvt.f32.s32 v20;
	v14 =	vadd.s32 v19, v14;
	v3 =	vld.idx.msk [tilespmem:v3+s0+$0x0], $0xffff  }
0x13e: {  	[tilespmem:s22+$0x30] =	vst v27;
	v19 =	vcvt.f32.s32 v32;
	v9 =	vadd.s32 v17, v9;
	v4 =	vld.idx.msk [tilespmem:v4+s0+$0x0], $0xffff  }
0x13f: {  	[tilespmem:s22+$0x40] =	vst v29;
	v10 =	vadd.s32 v18, v10;
	v18 =	vcvt.f32.s32 v26;
	v5 =	vld.idx.msk [tilespmem:v5+s0+$0x0], $0xffff  }
0x140: {  	[tilespmem:s22+$0x50] =	vst v30;
	v17 =	vcvt.f32.s32 v21;
	v11 =	vadd.s32 v19, v11;
	v19 =	vcvt.f32.s32 v22;
	v8 =	vld.idx.msk [tilespmem:v8+s0+$0x0], $0xffff  }
0x141: {  	[tilespmem:s22+$0x60] =	vst v28;
	v7 =	vadd.s32 v18, v7;
	v13 =	vld.idx.msk [tilespmem:v13+s0+$0x0], $0xffff  }
0x142: {  	v15 =	vadd.s32 v17, v15;
	v17 =	vcvt.f32.s32 v25;
	v2 =	vadd.s32 v19, v2;
	v14 =	vld.idx.msk [tilespmem:v14+s0+$0x0], $0xffff;
	[tilespmem:s20+$0xFFFFFF80] =	vst v3  }
0x143: {  	v9 =	vld.idx.msk [tilespmem:v9+s0+$0x0], $0xffff;
	v3 =	vcvt.f32.s32 v24;
	[tilespmem:s20+$0xFFFFFF90] =	vst v4  }
0x144: {  	v6 =	vadd.s32 v17, v6;
	v10 =	vld.idx.msk [tilespmem:v10+s0+$0x0], $0xffff;
	v4 =	vcvt.f32.s32 v23;
	[tilespmem:s20+$0xFFFFFFA0] =	vst v5  }
0x145: {  	v5 =	vld.idx.msk [tilespmem:v11+s0+$0x0], $0xffff;
	v3 =	vadd.s32 v3, v12;
	[tilespmem:s20+$0xFFFFFFB0] =	vst v8  }
0x146: {  	v7 =	vld.idx.msk [tilespmem:v7+s0+$0x0], $0xffff;
	[tilespmem:s20+$0xFFFFFFC0] =	vst v13;
	v4 =	vadd.s32 v4, v16  }
0x147: {  	v2 =	vld.idx.msk [tilespmem:v2+s0+$0x0], $0xffff;
	[tilespmem:s20+$0xFFFFFFD0] =	vst v14  }
0x148: {  	v8 =	vld.idx.msk [tilespmem:v15+s0+$0x0], $0xffff;
	[tilespmem:s20+$0xFFFFFFE0] =	vst v9  }
0x149: {  	v6 =	vld.idx.msk [tilespmem:v6+s0+$0x0], $0xffff;
	[tilespmem:s20+$0xFFFFFFF0] =	vst v10  }
0x14a: {  	[tilespmem:s20+$0x0] =	vst v5;
	v3 =	vld.idx.msk [tilespmem:v3+s0+$0x0], $0xffff  }
0x14b: {  	[tilespmem:s20+$0x20] =	vst v7;
	v4 =	vld.idx.msk [tilespmem:v4+s0+$0x0], $0xffff  }
0x14c: {  	[tilespmem:s20+$0x30] =	vst v2  }
0x14d: {  	[tilespmem:s20+$0x10] =	vst v8  }
0x14e: {  	s8 =	sor.u32 s7, s14;
	[tilespmem:s20+$0x40] =	vst v6  }
0x14f: {  	s15 =	sshrl.u32 s8, $0x3;
	[tilespmem:s20+$0x50] =	vst v3  }
0x150: {  	p1 =	seq.s32 s13, $0xF;
	s8 =	sadd.s32 s5, s15;
	[tilespmem:s20+$0x60] =	vst v4  }
0x151: {  	[hbm4b:s8+s6] =	stream.linear.scatter [tilespmem:s4], [sflag:$0x5], $0x2000, $0x38;
	[tilespmem:$0x18180] =	vst v63  }
0x152: {  	s8 =	sadd.s32 @!p1 s14, s16  }
0x153: {  	s8 =	sshrl.u32 @!p1 s8, $0x3  }
0x154: {  	s10 =	simm.s32 @!p1 $0x0;
	s9 =	sadd.s32 @!p1 s1, s8  }
0x155: {  	[tilespmem:s10], [sflag:$0x1] =	stream.linear.gather @!p1 [hbm4b:s9+s10], $0x2000, $0x38;
	[tilespmem:$0x18180] =	vst v63  }
0x156: {  	s8 =	sadd.s32 @!p1 s2, s8;
	s9 =	simm.s32 @!p1 $0x8000  }
0x157: {  	[tilespmem:s9], [sflag:$0x1] =	stream.linear.gather @!p1 [hbm4b:s8+s10], $0x2000, $0x38;
	[tilespmem:$0x18180] =	vst v63  }
0x158: {  	_ =	swait.ge [sflag:s3], $0x2000  }
0x159: {  	[sflag:s3] =	ssyncset.done $0x0  }
0x15a: {  	[sflag:s3] =	ssyncadd.s32 $0xFFFFE000  }
0x15b: {  	_ =	swait.ge [sflag:s3], $0x2000  }
0x15c: {  	[sflag:s3] =	ssyncset.done $0x0  }
0x15d: {  	s8 =	simm.s32 @!p0 $0x6;
	[sflag:s3] =	ssyncadd.s32 $0xFFFFE000  }
0x15e: {  	_ =	swait.ge @!p0 [sflag:s8], $0x2000  }
0x15f: {  	[sflag:s8] =	ssyncset.done @!p0 $0x0  }
0x160: {  	s10 =	simm.s32 $0x2080;
	[sflag:s8] =	ssyncadd.s32 @!p0 $0xFFFFE000  }
0x161: {  	v2 =	vld [tilespmem:s10+$0x70]  }
0x162: {  	s20 =	simm.s32 $0xA080;
	v3 =	vld [tilespmem:s10+$0xFFFFFF90]  }
0x163: {  	v4 =	vld [tilespmem:s20+$0x70]  }
0x164: {  	v5 =	vld [tilespmem:s10+$0xFFFFFFA0]  }
0x165: {  	v6 =	vld [tilespmem:s10+$0xFFFFFFB0]  }
0x166: {  	v7 =	vld [tilespmem:s10+$0xFFFFFFC0]  }
0x167: {  	v8 =	vld [tilespmem:s10+$0xFFFFFFD0]  }
0x168: {  	v9 =	vld [tilespmem:s10+$0xFFFFFFE0]  }
0x169: {  	v10 =	vld [tilespmem:s10+$0xFFFFFFF0]  }
0x16a: {  	v11 =	vld [tilespmem:s10+$0x0]  }
0x16b: {  	v12 =	vld [tilespmem:s10+$0x10]  }
0x16c: {  	v13 =	vld [tilespmem:s10+$0x20]  }
0x16d: {  	v14 =	vld [tilespmem:s10+$0x30]  }
0x16e: {  	v15 =	vld [tilespmem:s10+$0x40]  }
0x16f: {  	v16 =	vld [tilespmem:s10+$0x50]  }
0x170: {  	v17 =	vld [tilespmem:s10+$0x60]  }
0x171: {  	v18 =	vld [tilespmem:s10+$0xFFFFFF80]  }
0x172: {  	v19 =	vld [tilespmem:s20+$0xFFFFFF80]  }
0x173: {  	v20 =	vld [tilespmem:s20+$0xFFFFFF90]  }
0x174: {  	v21 =	vld [tilespmem:s20+$0xFFFFFFA0]  }
0x175: {  	v22 =	vld [tilespmem:s20+$0xFFFFFFB0]  }
0x176: {  	v23 =	vld [tilespmem:s20+$0xFFFFFFC0]  }
0x177: {  	v24 =	vld [tilespmem:s20+$0xFFFFFFD0]  }
0x178: {  	v25 =	vld [tilespmem:s20+$0xFFFFFFE0]  }
0x179: {  	v26 =	vld [tilespmem:s20+$0xFFFFFFF0]  }
0x17a: {  	v27 =	vld [tilespmem:s20+$0x0]  }
0x17b: {  	v28 =	vld [tilespmem:s20+$0x10]  }
0x17c: {  	v29 =	vld [tilespmem:s20+$0x20];
	v2 =	vmul.f32 $2.546478990e+00, v2  }
0x17d: {  	v30 =	vld [tilespmem:s20+$0x30];
	v3 =	vmul.f32 $2.546478990e+00, v3;
	v4 =	vmul.f32 $2.546478990e+00, v4  }
0x17e: {  	v31 =	vld [tilespmem:s20+$0x40];
	v5 =	vmul.f32 $2.546478990e+00, v5;
	v6 =	vmul.f32 $2.546478990e+00, v6  }
0x17f: {  	v55 =	vld [tilespmem:s20+$0x50];
	v7 =	vmul.f32 $2.546478990e+00, v7;
	v8 =	vmul.f32 $2.546478990e+00, v8  }
0x180: {  	s22 =	simm.s32 $0x2180;
	v56 =	vld [tilespmem:s20+$0x60];
	v9 =	vmul.f32 $2.546478990e+00, v9;
	v10 =	vmul.f32 $2.546478990e+00, v10  }
0x181: {  	v59 =	vld [tilespmem:s22+$0xFFFFFF90];
	v11 =	vmul.f32 $2.546478990e+00, v11;
	v12 =	vmul.f32 $2.546478990e+00, v12  }
0x182: {  	v61 =	vld [tilespmem:s22+$0xFFFFFFA0];
	v13 =	vmul.f32 $2.546478990e+00, v13;
	v14 =	vmul.f32 $2.546478990e+00, v14  }
0x183: {  	v62 =	vld [tilespmem:s22+$0xFFFFFFB0];
	v15 =	vmul.f32 $2.546478990e+00, v15;
	v16 =	vmul.f32 $2.546478990e+00, v16  }
0x184: {  	v38 =	vld [tilespmem:s22+$0xFFFFFFC0];
	v17 =	vmul.f32 $2.546478990e+00, v17;
	v18 =	vmul.f32 $2.546478990e+00, v18  }
0x185: {  	v39 =	vld [tilespmem:s22+$0xFFFFFFD0];
	v19 =	vmul.f32 $2.546478990e+00, v19;
	v20 =	vmul.f32 $2.546478990e+00, v20  }
0x186: {  	v40 =	vld [tilespmem:s22+$0xFFFFFFE0];
	v21 =	vmul.f32 $2.546478990e+00, v21;
	v22 =	vmul.f32 $2.546478990e+00, v22  }
0x187: {  	v41 =	vld [tilespmem:s22+$0xFFFFFFF0];
	v23 =	vmul.f32 $2.546478990e+00, v23;
	v24 =	vmul.f32 $2.546478990e+00, v24  }
0x188: {  	v42 =	vld [tilespmem:s22+$0x0];
	v25 =	vmul.f32 $2.546478990e+00, v25;
	v26 =	vmul.f32 $2.546478990e+00, v26  }
0x189: {  	v43 =	vld [tilespmem:s22+$0x10];
	v27 =	vmul.f32 $2.546478990e+00, v27;
	v28 =	vmul.f32 $2.546478990e+00, v28  }
0x18a: {  	v44 =	vld [tilespmem:s22+$0x20];
	v29 =	vmul.f32 $2.546478990e+00, v29;
	v30 =	vmul.f32 $2.546478990e+00, v30  }
0x18b: {  	v45 =	vld [tilespmem:s22+$0x30];
	v31 =	vmul.f32 $2.546478990e+00, v31;
	v32 =	vmul.f32 $2.546478990e+00, v55  }
0x18c: {  	v46 =	vld [tilespmem:s22+$0x50];
	v33 =	vmul.f32 $2.546478990e+00, v56;
	v34 =	vmul.f32 $2.546478990e+00, v59  }
0x18d: {  	s20 =	simm.s32 $0xA180;
	v47 =	vld [tilespmem:s22+$0x60];
	v36 =	vmul.f32 $2.546478990e+00, v61;
	v37 =	vmul.f32 $2.546478990e+00, v62  }
0x18e: {  	v60 =	vld [tilespmem:s20+$0x70];
	v38 =	vmul.f32 $2.546478990e+00, v38;
	v39 =	vmul.f32 $2.546478990e+00, v39  }
0x18f: {  	v40 =	vmul.f32 $2.546478990e+00, v40;
	v54 =	vmul.f32 $2.546478990e+00, v41  }
0x190: {  	v42 =	vmul.f32 $2.546478990e+00, v42;
	v43 =	vmul.f32 $2.546478990e+00, v43  }
0x191: {  	v44 =	vmul.f32 $2.546478990e+00, v44;
	v45 =	vmul.f32 $2.546478990e+00, v45  }
0x192: {  	v46 =	vmul.f32 $2.546478990e+00, v46;
	v47 =	vmul.f32 $2.546478990e+00, v47  }
0x193: {  	v35 =	vmul.f32 $2.546478990e+00, v60;
	v2 =	vtrunc.f32 v2  }
0x194: {  	v4 =	vtrunc.f32 v4;
	v3 =	vtrunc.f32 v3  }
0x195: {  	v5 =	vtrunc.f32 v5;
	v6 =	vtrunc.f32 v6  }
0x196: {  	v7 =	vtrunc.f32 v7;
	v8 =	vtrunc.f32 v8  }
0x197: {  	v9 =	vtrunc.f32 v9;
	v10 =	vtrunc.f32 v10  }
0x198: {  	v11 =	vtrunc.f32 v11;
	v12 =	vtrunc.f32 v12  }
0x199: {  	v13 =	vtrunc.f32 v13;
	v14 =	vtrunc.f32 v14  }
0x19a: {  	v58 =	vld [tilespmem:s22+$0x70];
	v15 =	vtrunc.f32 v15;
	v16 =	vtrunc.f32 v16  }
0x19b: {  	v18 =	vtrunc.f32 v18;
	v17 =	vtrunc.f32 v17  }
0x19c: {  	v19 =	vtrunc.f32 v19;
	v20 =	vtrunc.f32 v20  }
0x19d: {  	v21 =	vtrunc.f32 v21;
	v22 =	vtrunc.f32 v22  }
0x19e: {  	v23 =	vtrunc.f32 v23;
	v24 =	vtrunc.f32 v24  }
0x19f: {  	v57 =	vtrunc.f32 v33;
	v33 =	vmul.f32 $2.546478990e+00, v58  }
0x1a0: {  	v34 =	vtrunc.f32 v34;
	v36 =	vtrunc.f32 v36  }
0x1a1: {  	v63 =	vtrunc.f32 v37;
	v38 =	vtrunc.f32 v38  }
0x1a2: {  	v39 =	vtrunc.f32 v39;
	v40 =	vtrunc.f32 v40  }
0x1a3: {  	v37 =	vtrunc.f32 v54;
	v42 =	vtrunc.f32 v42  }
0x1a4: {  	v43 =	vtrunc.f32 v43;
	v44 =	vtrunc.f32 v44  }
0x1a5: {  	v45 =	vtrunc.f32 v45;
	v46 =	vtrunc.f32 v46  }
0x1a6: {  	v47 =	vtrunc.f32 v47;
	v2 =	vcvt.f32.s32 v2  }
0x1a7: {  	v4 =	vcvt.f32.s32 v4;
	v18 =	vcvt.f32.s32 v18  }
0x1a8: {  	v3 =	vcvt.f32.s32 v3;
	v5 =	vcvt.f32.s32 v5  }
0x1a9: {  	v6 =	vcvt.f32.s32 v6;
	v7 =	vcvt.f32.s32 v7  }
0x1aa: {  	v8 =	vcvt.f32.s32 v8;
	v9 =	vcvt.f32.s32 v9  }
0x1ab: {  	v10 =	vcvt.f32.s32 v10;
	v11 =	vcvt.f32.s32 v11  }
0x1ac: {  	v12 =	vcvt.f32.s32 v12;
	v13 =	vcvt.f32.s32 v13  }
0x1ad: {  	v14 =	vcvt.f32.s32 v14;
	v15 =	vcvt.f32.s32 v15  }
0x1ae: {  	v16 =	vcvt.f32.s32 v16;
	v17 =	vcvt.f32.s32 v17  }
0x1af: {  	v19 =	vcvt.f32.s32 v19;
	v20 =	vcvt.f32.s32 v20  }
0x1b0: {  	v21 =	vcvt.f32.s32 v21;
	v22 =	vcvt.f32.s32 v22  }
0x1b1: {  	v23 =	vcvt.f32.s32 v23;
	v24 =	vcvt.f32.s32 v24  }
0x1b2: {  	v35 =	vtrunc.f32 v35;
	v62 =	vcvt.f32.s32 v42  }
0x1b3: {  	v43 =	vcvt.f32.s32 v43;
	v44 =	vcvt.f32.s32 v44  }
0x1b4: {  	v45 =	vcvt.f32.s32 v45;
	v46 =	vcvt.f32.s32 v46  }
0x1b5: {  	v55 =	vld [tilespmem:s22+$0x40];
	v47 =	vcvt.f32.s32 v47;
	v33 =	vtrunc.f32 v33  }
0x1b6: {  	v61 =	vld [tilespmem:s20+$0x60];
	v35 =	vcvt.f32.s32 v35;
	v2 =	vmul.u32 $0x9, v2;
	v18 =	vmul.u32 $0x9, v18  }
0x1b7: {  	v3 =	vmul.u32 $0x9, v3;
	v5 =	vmul.u32 $0x9, v5;
	v6 =	vmul.u32 $0x9, v6  }
0x1b8: {  	v7 =	vmul.u32 $0x9, v7;
	v8 =	vmul.u32 $0x9, v8;
	v9 =	vmul.u32 $0x9, v9  }
0x1b9: {  	v10 =	vmul.u32 $0x9, v10;
	v33 =	vcvt.f32.s32 v33;
	v11 =	vmul.u32 $0x9, v11  }
0x1ba: {  	v12 =	vmul.u32 $0x9, v12;
	v13 =	vmul.u32 $0x9, v13;
	v41 =	vmul.f32 $2.546478990e+00, v55  }
0x1bb: {  	v48 =	vld [tilespmem:s22+$0xFFFFFF80];
	v54 =	vmul.f32 $2.546478990e+00, v61;
	v2 =	vadd.s32 v4, v2;
	v4 =	vtrunc.f32 v25  }
0x1bc: {  	v58 =	vld [tilespmem:s20+$0x30];
	v14 =	vmul.u32 $0x9, v14;
	v25 =	vtrunc.f32 v26;
	v26 =	vtrunc.f32 v27  }
0x1bd: {  	v15 =	vmul.u32 $0x9, v15;
	v27 =	vtrunc.f32 v28;
	v28 =	vtrunc.f32 v29  }
0x1be: {  	v56 =	vld [tilespmem:s20+$0xFFFFFFB0];
	v16 =	vmul.u32 $0x9, v16;
	v29 =	vtrunc.f32 v30;
	v30 =	vtrunc.f32 v31  }
0x1bf: {  	v59 =	vld [tilespmem:s20+$0x40];
	v17 =	vmul.u32 $0x9, v17;
	v31 =	vtrunc.f32 v32;
	v32 =	vcvt.f32.s32 v57  }
0x1c0: {  	v18 =	vadd.s32 v19, v18;
	v19 =	vld [tilespmem:s20+$0xFFFFFF80];
	v6 =	vadd.s32 v22, v6;
	v22 =	vmul.f32 $2.546478990e+00, v48  }
0x1c1: {  	v20 =	vadd.s32 v20, v3;
	v3 =	vld [tilespmem:s20+$0xFFFFFF90];
	v41 =	vtrunc.f32 v41;
	v52 =	vmul.f32 $2.546478990e+00, v58  }
0x1c2: {  	v21 =	vadd.s32 v21, v5;
	v5 =	vld [tilespmem:s20+$0xFFFFFFA0];
	v4 =	vcvt.f32.s32 v4;
	v25 =	vcvt.f32.s32 v25  }
0x1c3: {  	v7 =	vadd.s32 v23, v7;
	v23 =	vld [tilespmem:s20+$0xFFFFFFC0];
	v26 =	vcvt.f32.s32 v26;
	v27 =	vcvt.f32.s32 v27  }
0x1c4: {  	v33 =	vmul.u32 $0x9, v33;
	v57 =	vld [tilespmem:s20+$0x20];
	v28 =	vcvt.f32.s32 v28;
	v29 =	vcvt.f32.s32 v29  }
0x1c5: {  	v24 =	vadd.s32 v24, v8;
	v30 =	vcvt.f32.s32 v30;
	v8 =	vtrunc.f32 v22;
	v22 =	vld [tilespmem:s20+$0xFFFFFFD0]  }
0x1c6: {  	v31 =	vcvt.f32.s32 v31;
	v41 =	vcvt.f32.s32 v41;
	v49 =	vadd.s32 v4, v9;
	v9 =	vld [tilespmem:s20+$0x0]  }
0x1c7: {  	v60 =	vadd.s32 v32, v17;
	v17 =	vcvt.f32.s32 v37;
	v12 =	vadd.s32 v27, v12;
	v27 =	vld [tilespmem:s20+$0x10]  }
0x1c8: {  	v33 =	vadd.s32 v35, v33;
	v4 =	vcvt.f32.s32 v8;
	v8 =	vcvt.f32.s32 v34;
	v2 =	vld.idx.msk [tilespmem:v2+s0+$0x0], $0xffff  }
0x1c9: {  	v26 =	vadd.s32 v26, v11;
	v11 =	vmul.f32 $2.546478990e+00, v56;
	v50 =	vmul.f32 $2.546478990e+00, v3;
	v3 =	vld [tilespmem:s20+$0xFFFFFFE0]  }
0x1ca: {  	v25 =	vadd.s32 v25, v10;
	v10 =	vcvt.f32.s32 v36;
	v51 =	vmul.f32 $2.546478990e+00, v5;
	v5 =	vld [tilespmem:s20+$0xFFFFFFF0]  }
0x1cb: {  	v28 =	vadd.s32 v28, v13;
	v13 =	vcvt.f32.s32 v63;
	v29 =	vadd.s32 v29, v14;
	v18 =	vld.idx.msk [tilespmem:v18+s0+$0x0], $0xffff  }
0x1cc: {  	v14 =	vcvt.f32.s32 v38;
	v30 =	vadd.s32 v30, v15;
	v15 =	vcvt.f32.s32 v39;
	v20 =	vld.idx.msk [tilespmem:v20+s0+$0x0], $0xffff  }
0x1cd: {  	v16 =	vadd.s32 v31, v16;
	v31 =	vcvt.f32.s32 v40;
	v39 =	vmul.f32 $2.546478990e+00, v59;
	v21 =	vld.idx.msk [tilespmem:v21+s0+$0x0], $0xffff  }
0x1ce: {  	v19 =	vmul.f32 $2.546478990e+00, v19;
	v23 =	vmul.f32 $2.546478990e+00, v23;
	v6 =	vld.idx.msk [tilespmem:v6+s0+$0x0], $0xffff  }
0x1cf: {  	v63 =	vmul.f32 $2.546478990e+00, v57;
	v24 =	vld.idx.msk [tilespmem:v24+s0+$0x0], $0xffff;
	v22 =	vmul.f32 $2.546478990e+00, v22  }
0x1d0: {  	v33 =	vld.idx.msk [tilespmem:v33+s0+$0x0], $0xffff;
	v50 =	vtrunc.f32 v50;
	v51 =	vtrunc.f32 v51  }
0x1d1: {  	v34 =	vtrunc.f32 v23;
	v40 =	vmul.f32 $2.546478990e+00, v9;
	v9 =	vld [tilespmem:s20+$0x50]  }
0x1d2: {  	s8 =	simm.s32 $0x12080;
	v23 =	vtrunc.f32 v54;
	v27 =	vmul.f32 $2.546478990e+00, v27;
	v55 =	vld.idx.msk [tilespmem:v25+s0+$0x0], $0xffff  }
0x1d3: {  	v56 =	vld.idx.msk [tilespmem:v26+s0+$0x0], $0xffff;
	v26 =	vtrunc.f32 v63;
	v25 =	vtrunc.f32 v39;
	[tilespmem:s8+$0x70] =	vst v2  }
0x1d4: {  	v36 =	vld.idx.msk [tilespmem:v12+s0+$0x0], $0xffff;
	v12 =	vmul.u32 $0x9, v46;
	v37 =	vcvt.f32.s32 v50;
	v35 =	vmul.f32 $2.546478990e+00, v3;
	[tilespmem:s8+$0xFFFFFF80] =	vst v18  }
0x1d5: {  	v49 =	vld.idx.msk [tilespmem:v49+s0+$0x0], $0xffff;
	v38 =	vmul.f32 $2.546478990e+00, v5;
	v3 =	vmul.u32 $0x9, v4;
	v4 =	vmul.u32 $0x9, v8;
	[tilespmem:s8+$0xFFFFFF90] =	vst v20  }
0x1d6: {  	v5 =	vmul.u32 $0x9, v10;
	v8 =	vmul.u32 $0x9, v13;
	v13 =	vmul.u32 $0x9, v14;
	[tilespmem:s8+$0xFFFFFFA0] =	vst v21  }
0x1d7: {  	v14 =	vmul.u32 $0x9, v15;
	v10 =	vmul.u32 $0x9, v17;
	v18 =	vtrunc.f32 v11;
	[tilespmem:s8+$0xFFFFFFB0] =	vst v6  }
0x1d8: {  	s22 =	simm.s32 $0x12180;
	v2 =	vld.idx.msk [tilespmem:v7+s0+$0x0], $0xffff;
	v11 =	vmul.u32 $0x9, v62;
	v15 =	vmul.u32 $0x9, v43;
	v32 =	vtrunc.f32 v40;
	[tilespmem:s8+$0xFFFFFFD0] =	vst v24  }
0x1d9: {  	v7 =	vmul.u32 $0x9, v44;
	v21 =	vtrunc.f32 v27;
	v27 =	vld.idx.msk [tilespmem:v29+s0+$0x0], $0xffff;
	[tilespmem:s22+$0x70] =	vst v33;
	v33 =	vtrunc.f32 v35  }
0x1da: {  	v6 =	vmul.u32 $0x9, v41;
	v20 =	vtrunc.f32 v38;
	v35 =	vld.idx.msk [tilespmem:v28+s0+$0x0], $0xffff;
	v53 =	vmul.f32 $2.546478990e+00, v9;
	[tilespmem:s8+$0xFFFFFFE0] =	vst v49  }
0x1db: {  	v29 =	vld.idx.msk [tilespmem:v30+s0+$0x0], $0xffff;
	v9 =	vmul.u32 $0x9, v31;
	v31 =	vtrunc.f32 v19;
	v19 =	vtrunc.f32 v22;
	[tilespmem:s8+$0xFFFFFFF0] =	vst v55  }
0x1dc: {  	v30 =	vld.idx.msk [tilespmem:v16+s0+$0x0], $0xffff;
	v16 =	vmul.u32 $0x9, v47;
	v22 =	vtrunc.f32 v52;
	[tilespmem:s8+$0x0] =	vst v56;
	v17 =	vcvt.f32.s32 v31  }
0x1dd: {  	s9 =	simm.s32 $0x10;
	s10 =	simm.s32 $0x2280;
	v28 =	vld.idx.msk [tilespmem:v60+s0+$0x0], $0xffff;
	v31 =	vcvt.f32.s32 v51;
	[tilespmem:s8+$0xFFFFFFC0] =	vst v2;
	v2 =	vmul.u32 $0x9, v45;
	v24 =	vtrunc.f32 v53  }
.LBB2_7:
0x1de: {  	v38 =	vld [tilespmem:s10+$0x70];
	s9 =	sadd.s32 $0x10, s9;
	v17 =	vadd.s32 v17, v3;
	v3 =	vcvt.f32.s32 v18;
	v34 =	vcvt.f32.s32 v34;
	[tilespmem:s8+$0x10] =	vst v36  }
0x1df: {  	v33 =	vcvt.f32.s32 v33;
	s20 =	sadd.s32 $0x100, s20;
	v36 =	vld [tilespmem:s10+$0xFFFFFF90];
	p2 =	slt.u32 s9, $0x1F0;
	v18 =	vadd.s32 v37, v4;
	v4 =	vcvt.f32.s32 v19;
	[tilespmem:s8+$0x20] =	vst v35  }
0x1e0: {  	v19 =	vadd.s32 v31, v5;
	v5 =	vcvt.f32.s32 v20;
	v31 =	vcvt.f32.s32 v32;
	v35 =	vld [tilespmem:s20+$0x70];
	[tilespmem:s8+$0x30] =	vst v27  }
0x1e1: {  	v20 =	vadd.s32 v3, v8;
	v3 =	vcvt.f32.s32 v21;
	v8 =	vcvt.f32.s32 v26;
	v27 =	vld [tilespmem:s10+$0xFFFFFFA0];
	[tilespmem:s8+$0x40] =	vst v29  }
0x1e2: {  	v32 =	vcvt.f32.s32 v25;
	v21 =	vadd.s32 v34, v13;
	v13 =	vcvt.f32.s32 v22;
	v29 =	vld [tilespmem:s10+$0xFFFFFFB0];
	[tilespmem:s8+$0x50] =	vst v30  }
0x1e3: {  	v22 =	vadd.s32 v4, v14;
	v4 =	vcvt.f32.s32 v24;
	v30 =	vld [tilespmem:s10+$0xFFFFFFC0];
	v26 =	vmul.f32 $2.546478990e+00, v38;
	[tilespmem:s8+$0x60] =	vst v28;
	s8 =	smov.u32 s22  }
0x1e4: {  	v25 =	vadd.s32 v33, v9;
	v9 =	vcvt.f32.s32 v23;
	v14 =	vmul.f32 $2.546478990e+00, v36;
	v28 =	vld [tilespmem:s10+$0xFFFFFFD0]  }
0x1e5: {  	v33 =	vld [tilespmem:s10+$0xFFFFFFE0];
	v23 =	vtrunc.f32 v26;
	v24 =	vmul.f32 $2.546478990e+00, v35;
	v26 =	vadd.s32 v5, v10  }
0x1e6: {  	v5 =	vmul.f32 $2.546478990e+00, v27;
	v10 =	vld [tilespmem:s10+$0xFFFFFFF0];
	v27 =	vcvt.f32.s32 v23;
	v23 =	vadd.s32 v31, v11  }
0x1e7: {  	v11 =	vmul.f32 $2.546478990e+00, v29;
	v31 =	vld [tilespmem:s10+$0x0];
	v29 =	vtrunc.f32 v24;
	v24 =	vadd.s32 v3, v15  }
0x1e8: {  	v3 =	vmul.f32 $2.546478990e+00, v30;
	v15 =	vld [tilespmem:s10+$0x10];
	v29 =	vcvt.f32.s32 v29;
	v30 =	vmul.u32 $0x9, v27  }
0x1e9: {  	v14 =	vtrunc.f32 v14;
	v27 =	vadd.s32 v8, v7;
	v28 =	vmul.f32 $2.546478990e+00, v28;
	v34 =	vld [tilespmem:s10+$0x20]  }
0x1ea: {  	v5 =	vtrunc.f32 v5;
	v7 =	vmul.f32 $2.546478990e+00, v33;
	v8 =	vld [tilespmem:s10+$0x30];
	v33 =	vadd.s32 v29, v30  }
0x1eb: {  	v11 =	vtrunc.f32 v11;
	v29 =	vadd.s32 v13, v2;
	v10 =	vmul.f32 $2.546478990e+00, v10;
	v35 =	vld [tilespmem:s10+$0x40]  }
0x1ec: {  	v2 =	vtrunc.f32 v3;
	v30 =	vadd.s32 v32, v6;
	v3 =	vmul.f32 $2.546478990e+00, v31;
	v13 =	vld [tilespmem:s10+$0x50]  }
0x1ed: {  	v6 =	vtrunc.f32 v28;
	v31 =	vadd.s32 v4, v12;
	v15 =	vmul.f32 $2.546478990e+00, v15;
	v32 =	vld [tilespmem:s10+$0x60]  }
0x1ee: {  	v28 =	vadd.s32 v9, v16;
	v7 =	vtrunc.f32 v7;
	v4 =	vld [tilespmem:s10+$0xFFFFFF80];
	v12 =	vmul.f32 $2.546478990e+00, v34  }
0x1ef: {  	v9 =	vtrunc.f32 v10;
	v8 =	vmul.f32 $2.546478990e+00, v8;
	v10 =	vld.idx.msk [tilespmem:v33+s0+$0x0], $0xffff  }
0x1f0: {  	v33 =	vtrunc.f32 v3;
	v16 =	vld [tilespmem:s20+$0xFFFFFF80];
	v3 =	vmul.f32 $2.546478990e+00, v35  }
0x1f1: {  	v15 =	vtrunc.f32 v15;
	v34 =	vld [tilespmem:s20+$0xFFFFFF90];
	v13 =	vmul.f32 $2.546478990e+00, v13  }
0x1f2: {  	v12 =	vtrunc.f32 v12;
	v35 =	vld [tilespmem:s20+$0xFFFFFFA0];
	v32 =	vmul.f32 $2.546478990e+00, v32  }
0x1f3: {  	v37 =	vtrunc.f32 v8;
	v4 =	vmul.f32 $2.546478990e+00, v4;
	v36 =	vld [tilespmem:s20+$0xFFFFFFB0]  }
0x1f4: {  	s22 =	sadd.s32 $0x100, s22;
	v38 =	vtrunc.f32 v3;
	v39 =	vtrunc.f32 v13;
	v8 =	vld [tilespmem:s20+$0xFFFFFFC0]  }
0x1f5: {  	v32 =	vtrunc.f32 v32;
	v3 =	vtrunc.f32 v4;
	v13 =	vld [tilespmem:s20+$0xFFFFFFD0];
	[tilespmem:s22+$0x70] =	vst v10  }
0x1f6: {  	v16 =	vmul.f32 $2.546478990e+00, v16;
	v34 =	vmul.f32 $2.546478990e+00, v34;
	v10 =	vld [tilespmem:s20+$0xFFFFFFE0]  }
0x1f7: {  	v3 =	vcvt.f32.s32 v3;
	v35 =	vmul.f32 $2.546478990e+00, v35;
	v40 =	vld [tilespmem:s20+$0xFFFFFFF0]  }
0x1f8: {  	v4 =	vcvt.f32.s32 v14;
	v36 =	vmul.f32 $2.546478990e+00, v36;
	v14 =	vld [tilespmem:s20+$0x0]  }
0x1f9: {  	v5 =	vcvt.f32.s32 v5;
	v3 =	vmul.u32 $0x9, v3;
	v41 =	vmul.f32 $2.546478990e+00, v8;
	v42 =	vld [tilespmem:s20+$0x10]  }
0x1fa: {  	v4 =	vmul.u32 $0x9, v4;
	v8 =	vcvt.f32.s32 v11;
	v43 =	vmul.f32 $2.546478990e+00, v13;
	v11 =	vld [tilespmem:s20+$0x20]  }
0x1fb: {  	v5 =	vmul.u32 $0x9, v5;
	v2 =	vcvt.f32.s32 v2;
	v44 =	vmul.f32 $2.546478990e+00, v10;
	v45 =	vld [tilespmem:s20+$0x30]  }
0x1fc: {  	v6 =	vcvt.f32.s32 v6;
	v8 =	vmul.u32 $0x9, v8;
	v40 =	vmul.f32 $2.546478990e+00, v40;
	v46 =	vld [tilespmem:s20+$0x40]  }
0x1fd: {  	v13 =	vmul.u32 $0x9, v2;
	v2 =	vcvt.f32.s32 v7;
	v47 =	vmul.f32 $2.546478990e+00, v14;
	v7 =	vld [tilespmem:s20+$0x50]  }
0x1fe: {  	v14 =	vmul.u32 $0x9, v6;
	v6 =	vcvt.f32.s32 v9;
	v42 =	vmul.f32 $2.546478990e+00, v42;
	v48 =	vld [tilespmem:s20+$0x60]  }
0x1ff: {  	v9 =	vmul.u32 $0x9, v2;
	v2 =	vcvt.f32.s32 v33;
	v49 =	vmul.f32 $2.546478990e+00, v11;
	v17 =	vld.idx.msk [tilespmem:v17+s0+$0x0], $0xffff  }
0x200: {  	v10 =	vmul.u32 $0x9, v6;
	v6 =	vcvt.f32.s32 v15;
	v45 =	vmul.f32 $2.546478990e+00, v45;
	v33 =	vld.idx.msk [tilespmem:v18+s0+$0x0], $0xffff  }
0x201: {  	v11 =	vmul.u32 $0x9, v2;
	v2 =	vcvt.f32.s32 v12;
	v46 =	vmul.f32 $2.546478990e+00, v46;
	v50 =	vld.idx.msk [tilespmem:v19+s0+$0x0], $0xffff  }
0x202: {  	v15 =	vmul.u32 $0x9, v6;
	v6 =	vcvt.f32.s32 v37;
	v37 =	vmul.f32 $2.546478990e+00, v7;
	v51 =	vld.idx.msk [tilespmem:v20+s0+$0x0], $0xffff  }
0x203: {  	v12 =	vcvt.f32.s32 v38;
	v7 =	vmul.u32 $0x9, v2;
	v38 =	vmul.f32 $2.546478990e+00, v48;
	v48 =	vld.idx.msk [tilespmem:v21+s0+$0x0], $0xffff  }
0x204: {  	v19 =	vcvt.f32.s32 v39;
	v20 =	vcvt.f32.s32 v32;
	v2 =	vmul.u32 $0x9, v6;
	v39 =	vld.idx.msk [tilespmem:v22+s0+$0x0], $0xffff  }
0x205: {  	v52 =	vtrunc.f32 v16;
	v53 =	vtrunc.f32 v34;
	v6 =	vmul.u32 $0x9, v12;
	[tilespmem:s8+$0xFFFFFF80] =	vst v17;
	v17 =	vld.idx.msk [tilespmem:v25+s0+$0x0], $0xffff  }
0x206: {  	v54 =	vtrunc.f32 v35;
	v18 =	vtrunc.f32 v36;
	v12 =	vmul.u32 $0x9, v19;
	[tilespmem:s8+$0xFFFFFF90] =	vst v33;
	v55 =	vld.idx.msk [tilespmem:v26+s0+$0x0], $0xffff  }
0x207: {  	v34 =	vtrunc.f32 v41;
	v19 =	vtrunc.f32 v43;
	v16 =	vmul.u32 $0x9, v20;
	[tilespmem:s8+$0xFFFFFFA0] =	vst v50;
	v41 =	vld.idx.msk [tilespmem:v23+s0+$0x0], $0xffff  }
0x208: {  	v20 =	vtrunc.f32 v40;
	v33 =	vtrunc.f32 v44;
	[tilespmem:s8+$0xFFFFFFB0] =	vst v51;
	v36 =	vld.idx.msk [tilespmem:v24+s0+$0x0], $0xffff  }
.Ltmp4:
0x209: {  	v32 =	vtrunc.f32 v47;
	v21 =	vtrunc.f32 v42;
	[tilespmem:s8+$0xFFFFFFC0] =	vst v48;
	v35 =	vld.idx.msk [tilespmem:v27+s0+$0x0], $0xffff;
	(pc) =	sbr.rel @p2 .LBB2_7-.Ltmp4, $4  }
0x20a: {  	v22 =	vtrunc.f32 v45;
	v26 =	vtrunc.f32 v49;
	[tilespmem:s8+$0xFFFFFFD0] =	vst v39;
	v27 =	vld.idx.msk [tilespmem:v29+s0+$0x0], $0xffff  }
0x20b: {  	v25 =	vtrunc.f32 v46;
	v24 =	vtrunc.f32 v37;
	[tilespmem:s8+$0xFFFFFFE0] =	vst v17;
	v29 =	vld.idx.msk [tilespmem:v30+s0+$0x0], $0xffff  }
0x20c: {  	v23 =	vtrunc.f32 v38;
	v17 =	vcvt.f32.s32 v52;
	[tilespmem:s8+$0xFFFFFFF0] =	vst v55;
	v30 =	vld.idx.msk [tilespmem:v31+s0+$0x0], $0xffff  }
0x20d: {  	s10 =	sadd.s32 $0x100, s10;
	v37 =	vcvt.f32.s32 v53;
	v31 =	vcvt.f32.s32 v54;
	[tilespmem:s8+$0x0] =	vst v41;
	v28 =	vld.idx.msk [tilespmem:v28+s0+$0x0], $0xffff  }
0x20e: {  	v3 =	vadd.s32 v17, v3  }
0x20f: {  	v17 =	vcvt.f32.s32 v18;
	v4 =	vadd.s32 v37, v4  }
0x210: {  	v18 =	vcvt.f32.s32 v34;
	v5 =	vadd.s32 v31, v5  }
0x211: {  	v19 =	vcvt.f32.s32 v19;
	v8 =	vadd.s32 v17, v8  }
0x212: {  	[tilespmem:s8+$0x10] =	vst v36;
	v17 =	vcvt.f32.s32 v33;
	v13 =	vadd.s32 v18, v13  }
0x213: {  	[tilespmem:s8+$0x20] =	vst v35;
	v18 =	vcvt.f32.s32 v20;
	v14 =	vadd.s32 v19, v14;
	v3 =	vld.idx.msk [tilespmem:v3+s0+$0x0], $0xffff  }
0x214: {  	[tilespmem:s8+$0x30] =	vst v27;
	v19 =	vcvt.f32.s32 v32;
	v9 =	vadd.s32 v17, v9;
	v4 =	vld.idx.msk [tilespmem:v4+s0+$0x0], $0xffff  }
0x215: {  	[tilespmem:s8+$0x40] =	vst v29;
	v10 =	vadd.s32 v18, v10;
	v18 =	vcvt.f32.s32 v26;
	v5 =	vld.idx.msk [tilespmem:v5+s0+$0x0], $0xffff  }
0x216: {  	[tilespmem:s8+$0x50] =	vst v30;
	v17 =	vcvt.f32.s32 v21;
	v11 =	vadd.s32 v19, v11;
	v19 =	vcvt.f32.s32 v22;
	v8 =	vld.idx.msk [tilespmem:v8+s0+$0x0], $0xffff  }
0x217: {  	[tilespmem:s8+$0x60] =	vst v28;
	v7 =	vadd.s32 v18, v7;
	v13 =	vld.idx.msk [tilespmem:v13+s0+$0x0], $0xffff  }
0x218: {  	v15 =	vadd.s32 v17, v15;
	v17 =	vcvt.f32.s32 v25;
	v2 =	vadd.s32 v19, v2;
	v14 =	vld.idx.msk [tilespmem:v14+s0+$0x0], $0xffff;
	[tilespmem:s22+$0xFFFFFF80] =	vst v3  }
0x219: {  	v9 =	vld.idx.msk [tilespmem:v9+s0+$0x0], $0xffff;
	v3 =	vcvt.f32.s32 v24;
	[tilespmem:s22+$0xFFFFFF90] =	vst v4  }
0x21a: {  	v6 =	vadd.s32 v17, v6;
	v10 =	vld.idx.msk [tilespmem:v10+s0+$0x0], $0xffff;
	v4 =	vcvt.f32.s32 v23;
	[tilespmem:s22+$0xFFFFFFA0] =	vst v5  }
0x21b: {  	v5 =	vld.idx.msk [tilespmem:v11+s0+$0x0], $0xffff;
	v3 =	vadd.s32 v3, v12;
	[tilespmem:s22+$0xFFFFFFB0] =	vst v8  }
0x21c: {  	v7 =	vld.idx.msk [tilespmem:v7+s0+$0x0], $0xffff;
	[tilespmem:s22+$0xFFFFFFC0] =	vst v13;
	v4 =	vadd.s32 v4, v16  }
0x21d: {  	v2 =	vld.idx.msk [tilespmem:v2+s0+$0x0], $0xffff;
	[tilespmem:s22+$0xFFFFFFD0] =	vst v14  }
0x21e: {  	v8 =	vld.idx.msk [tilespmem:v15+s0+$0x0], $0xffff;
	[tilespmem:s22+$0xFFFFFFE0] =	vst v9  }
0x21f: {  	v6 =	vld.idx.msk [tilespmem:v6+s0+$0x0], $0xffff;
	[tilespmem:s22+$0xFFFFFFF0] =	vst v10  }
0x220: {  	[tilespmem:s22+$0x0] =	vst v5;
	v3 =	vld.idx.msk [tilespmem:v3+s0+$0x0], $0xffff  }
0x221: {  	[tilespmem:s22+$0x20] =	vst v7;
	v4 =	vld.idx.msk [tilespmem:v4+s0+$0x0], $0xffff  }
0x222: {  	[tilespmem:s22+$0x30] =	vst v2  }
0x223: {  	[tilespmem:s22+$0x10] =	vst v8  }
0x224: {  	[tilespmem:s22+$0x40] =	vst v6  }
0x225: {  	s15 =	sadd.s32 s15, s5;
	s8 =	sadd.s32 @!p1 s14, s17;
	[tilespmem:s22+$0x50] =	vst v3  }
0x226: {  	s9 =	sadd.s32 $0x400, s15;
	s8 =	sshrl.u32 @!p1 s8, $0x3;
	[tilespmem:s22+$0x60] =	vst v4  }
0x227: {  	[hbm4b:s9+s6] =	stream.linear.scatter [tilespmem:s23], [sflag:$0x6], $0x2000, $0x38;
	[tilespmem:$0x18180] =	vst v63  }
0x228: {  	s10 =	simm.s32 @!p1 $0x0;
	s20 =	simm.s32 @!p1 $0x2000;
	s9 =	sadd.s32 @!p1 s1, s8  }
0x229: {  	[tilespmem:s20], [sflag:$0x2] =	stream.linear.gather @!p1 [hbm4b:s9+s10], $0x2000, $0x38;
	[tilespmem:$0x18180] =	vst v63  }
0x22a: {  	s8 =	sadd.s32 @!p1 s2, s8;
	s9 =	simm.s32 @!p1 $0xA000  }
0x22b: {  	[tilespmem:s9], [sflag:$0x2] =	stream.linear.gather @!p1 [hbm4b:s8+s10], $0x2000, $0x38;
	[tilespmem:$0x18180] =	vst v63  }
0x22c: {  	_ =	swait.ge [sflag:s24], $0x2000  }
0x22d: {  	[sflag:s24] =	ssyncset.done $0x0  }
0x22e: {  	[sflag:s24] =	ssyncadd.s32 $0xFFFFE000  }
0x22f: {  	_ =	swait.ge [sflag:s24], $0x2000  }
0x230: {  	[sflag:s24] =	ssyncset.done $0x0  }
0x231: {  	s8 =	simm.s32 @!p0 $0x7;
	[sflag:s24] =	ssyncadd.s32 $0xFFFFE000  }
0x232: {  	_ =	swait.ge @!p0 [sflag:s8], $0x2000  }
0x233: {  	[sflag:s8] =	ssyncset.done @!p0 $0x0  }
0x234: {  	s10 =	simm.s32 $0x4080;
	[sflag:s8] =	ssyncadd.s32 @!p0 $0xFFFFE000  }
0x235: {  	v2 =	vld [tilespmem:s10+$0x70]  }
0x236: {  	s20 =	simm.s32 $0xC080;
	v3 =	vld [tilespmem:s10+$0xFFFFFF90]  }
0x237: {  	v4 =	vld [tilespmem:s20+$0x70]  }
0x238: {  	v5 =	vld [tilespmem:s10+$0xFFFFFFA0]  }
0x239: {  	v6 =	vld [tilespmem:s10+$0xFFFFFFB0]  }
0x23a: {  	v7 =	vld [tilespmem:s10+$0xFFFFFFC0]  }
0x23b: {  	v8 =	vld [tilespmem:s10+$0xFFFFFFD0]  }
0x23c: {  	v9 =	vld [tilespmem:s10+$0xFFFFFFE0]  }
0x23d: {  	v10 =	vld [tilespmem:s10+$0xFFFFFFF0]  }
0x23e: {  	v11 =	vld [tilespmem:s10+$0x0]  }
0x23f: {  	v12 =	vld [tilespmem:s10+$0x10]  }
0x240: {  	v13 =	vld [tilespmem:s10+$0x20]  }
0x241: {  	v14 =	vld [tilespmem:s10+$0x30]  }
0x242: {  	v15 =	vld [tilespmem:s10+$0x40]  }
0x243: {  	v16 =	vld [tilespmem:s10+$0x50]  }
0x244: {  	v17 =	vld [tilespmem:s10+$0x60]  }
0x245: {  	v18 =	vld [tilespmem:s10+$0xFFFFFF80]  }
0x246: {  	v19 =	vld [tilespmem:s20+$0xFFFFFF80]  }
0x247: {  	v20 =	vld [tilespmem:s20+$0xFFFFFF90]  }
0x248: {  	v21 =	vld [tilespmem:s20+$0xFFFFFFA0]  }
0x249: {  	v22 =	vld [tilespmem:s20+$0xFFFFFFB0]  }
0x24a: {  	v23 =	vld [tilespmem:s20+$0xFFFFFFC0]  }
0x24b: {  	v24 =	vld [tilespmem:s20+$0xFFFFFFD0]  }
0x24c: {  	v25 =	vld [tilespmem:s20+$0xFFFFFFE0]  }
0x24d: {  	v26 =	vld [tilespmem:s20+$0xFFFFFFF0]  }
0x24e: {  	v27 =	vld [tilespmem:s20+$0x0]  }
0x24f: {  	v28 =	vld [tilespmem:s20+$0x10]  }
0x250: {  	v29 =	vld [tilespmem:s20+$0x20];
	v2 =	vmul.f32 $2.546478990e+00, v2  }
0x251: {  	v30 =	vld [tilespmem:s20+$0x30];
	v3 =	vmul.f32 $2.546478990e+00, v3;
	v4 =	vmul.f32 $2.546478990e+00, v4  }
0x252: {  	v31 =	vld [tilespmem:s20+$0x40];
	v5 =	vmul.f32 $2.546478990e+00, v5;
	v6 =	vmul.f32 $2.546478990e+00, v6  }
0x253: {  	v55 =	vld [tilespmem:s20+$0x50];
	v7 =	vmul.f32 $2.546478990e+00, v7;
	v8 =	vmul.f32 $2.546478990e+00, v8  }
0x254: {  	s22 =	simm.s32 $0x4180;
	v56 =	vld [tilespmem:s20+$0x60];
	v9 =	vmul.f32 $2.546478990e+00, v9;
	v10 =	vmul.f32 $2.546478990e+00, v10  }
0x255: {  	v59 =	vld [tilespmem:s22+$0xFFFFFF90];
	v11 =	vmul.f32 $2.546478990e+00, v11;
	v12 =	vmul.f32 $2.546478990e+00, v12  }
0x256: {  	v61 =	vld [tilespmem:s22+$0xFFFFFFA0];
	v13 =	vmul.f32 $2.546478990e+00, v13;
	v14 =	vmul.f32 $2.546478990e+00, v14  }
0x257: {  	v62 =	vld [tilespmem:s22+$0xFFFFFFB0];
	v15 =	vmul.f32 $2.546478990e+00, v15;
	v16 =	vmul.f32 $2.546478990e+00, v16  }
0x258: {  	v38 =	vld [tilespmem:s22+$0xFFFFFFC0];
	v17 =	vmul.f32 $2.546478990e+00, v17;
	v18 =	vmul.f32 $2.546478990e+00, v18  }
0x259: {  	v39 =	vld [tilespmem:s22+$0xFFFFFFD0];
	v19 =	vmul.f32 $2.546478990e+00, v19;
	v20 =	vmul.f32 $2.546478990e+00, v20  }
0x25a: {  	v40 =	vld [tilespmem:s22+$0xFFFFFFE0];
	v21 =	vmul.f32 $2.546478990e+00, v21;
	v22 =	vmul.f32 $2.546478990e+00, v22  }
0x25b: {  	v41 =	vld [tilespmem:s22+$0xFFFFFFF0];
	v23 =	vmul.f32 $2.546478990e+00, v23;
	v24 =	vmul.f32 $2.546478990e+00, v24  }
0x25c: {  	v42 =	vld [tilespmem:s22+$0x0];
	v25 =	vmul.f32 $2.546478990e+00, v25;
	v26 =	vmul.f32 $2.546478990e+00, v26  }
0x25d: {  	v43 =	vld [tilespmem:s22+$0x10];
	v27 =	vmul.f32 $2.546478990e+00, v27;
	v28 =	vmul.f32 $2.546478990e+00, v28  }
0x25e: {  	v44 =	vld [tilespmem:s22+$0x20];
	v29 =	vmul.f32 $2.546478990e+00, v29;
	v30 =	vmul.f32 $2.546478990e+00, v30  }
0x25f: {  	v45 =	vld [tilespmem:s22+$0x30];
	v31 =	vmul.f32 $2.546478990e+00, v31;
	v32 =	vmul.f32 $2.546478990e+00, v55  }
0x260: {  	v46 =	vld [tilespmem:s22+$0x50];
	v33 =	vmul.f32 $2.546478990e+00, v56;
	v34 =	vmul.f32 $2.546478990e+00, v59  }
0x261: {  	s20 =	simm.s32 $0xC180;
	v47 =	vld [tilespmem:s22+$0x60];
	v36 =	vmul.f32 $2.546478990e+00, v61;
	v37 =	vmul.f32 $2.546478990e+00, v62  }
0x262: {  	v60 =	vld [tilespmem:s20+$0x70];
	v38 =	vmul.f32 $2.546478990e+00, v38;
	v39 =	vmul.f32 $2.546478990e+00, v39  }
0x263: {  	v40 =	vmul.f32 $2.546478990e+00, v40;
	v54 =	vmul.f32 $2.546478990e+00, v41  }
0x264: {  	v42 =	vmul.f32 $2.546478990e+00, v42;
	v43 =	vmul.f32 $2.546478990e+00, v43  }
0x265: {  	v44 =	vmul.f32 $2.546478990e+00, v44;
	v45 =	vmul.f32 $2.546478990e+00, v45  }
0x266: {  	v46 =	vmul.f32 $2.546478990e+00, v46;
	v47 =	vmul.f32 $2.546478990e+00, v47  }
0x267: {  	v35 =	vmul.f32 $2.546478990e+00, v60;
	v2 =	vtrunc.f32 v2  }
0x268: {  	v4 =	vtrunc.f32 v4;
	v3 =	vtrunc.f32 v3  }
0x269: {  	v5 =	vtrunc.f32 v5;
	v6 =	vtrunc.f32 v6  }
0x26a: {  	v7 =	vtrunc.f32 v7;
	v8 =	vtrunc.f32 v8  }
0x26b: {  	v9 =	vtrunc.f32 v9;
	v10 =	vtrunc.f32 v10  }
0x26c: {  	v11 =	vtrunc.f32 v11;
	v12 =	vtrunc.f32 v12  }
0x26d: {  	v13 =	vtrunc.f32 v13;
	v14 =	vtrunc.f32 v14  }
0x26e: {  	v58 =	vld [tilespmem:s22+$0x70];
	v15 =	vtrunc.f32 v15;
	v16 =	vtrunc.f32 v16  }
0x26f: {  	v18 =	vtrunc.f32 v18;
	v17 =	vtrunc.f32 v17  }
0x270: {  	v19 =	vtrunc.f32 v19;
	v20 =	vtrunc.f32 v20  }
0x271: {  	v21 =	vtrunc.f32 v21;
	v22 =	vtrunc.f32 v22  }
0x272: {  	v23 =	vtrunc.f32 v23;
	v24 =	vtrunc.f32 v24  }
0x273: {  	v57 =	vtrunc.f32 v33;
	v33 =	vmul.f32 $2.546478990e+00, v58  }
0x274: {  	v34 =	vtrunc.f32 v34;
	v36 =	vtrunc.f32 v36  }
0x275: {  	v63 =	vtrunc.f32 v37;
	v38 =	vtrunc.f32 v38  }
0x276: {  	v39 =	vtrunc.f32 v39;
	v40 =	vtrunc.f32 v40  }
0x277: {  	v37 =	vtrunc.f32 v54;
	v42 =	vtrunc.f32 v42  }
0x278: {  	v43 =	vtrunc.f32 v43;
	v44 =	vtrunc.f32 v44  }
0x279: {  	v45 =	vtrunc.f32 v45;
	v46 =	vtrunc.f32 v46  }
0x27a: {  	v47 =	vtrunc.f32 v47;
	v2 =	vcvt.f32.s32 v2  }
0x27b: {  	v4 =	vcvt.f32.s32 v4;
	v18 =	vcvt.f32.s32 v18  }
0x27c: {  	v3 =	vcvt.f32.s32 v3;
	v5 =	vcvt.f32.s32 v5  }
0x27d: {  	v6 =	vcvt.f32.s32 v6;
	v7 =	vcvt.f32.s32 v7  }
0x27e: {  	v8 =	vcvt.f32.s32 v8;
	v9 =	vcvt.f32.s32 v9  }
0x27f: {  	v10 =	vcvt.f32.s32 v10;
	v11 =	vcvt.f32.s32 v11  }
0x280: {  	v12 =	vcvt.f32.s32 v12;
	v13 =	vcvt.f32.s32 v13  }
0x281: {  	v14 =	vcvt.f32.s32 v14;
	v15 =	vcvt.f32.s32 v15  }
0x282: {  	v16 =	vcvt.f32.s32 v16;
	v17 =	vcvt.f32.s32 v17  }
0x283: {  	v19 =	vcvt.f32.s32 v19;
	v20 =	vcvt.f32.s32 v20  }
0x284: {  	v21 =	vcvt.f32.s32 v21;
	v22 =	vcvt.f32.s32 v22  }
0x285: {  	v23 =	vcvt.f32.s32 v23;
	v24 =	vcvt.f32.s32 v24  }
0x286: {  	v35 =	vtrunc.f32 v35;
	v62 =	vcvt.f32.s32 v42  }
0x287: {  	v43 =	vcvt.f32.s32 v43;
	v44 =	vcvt.f32.s32 v44  }
0x288: {  	v45 =	vcvt.f32.s32 v45;
	v46 =	vcvt.f32.s32 v46  }
0x289: {  	v55 =	vld [tilespmem:s22+$0x40];
	v47 =	vcvt.f32.s32 v47;
	v33 =	vtrunc.f32 v33  }
0x28a: {  	v61 =	vld [tilespmem:s20+$0x60];
	v35 =	vcvt.f32.s32 v35;
	v2 =	vmul.u32 $0x9, v2;
	v18 =	vmul.u32 $0x9, v18  }
0x28b: {  	v3 =	vmul.u32 $0x9, v3;
	v5 =	vmul.u32 $0x9, v5;
	v6 =	vmul.u32 $0x9, v6  }
0x28c: {  	v7 =	vmul.u32 $0x9, v7;
	v8 =	vmul.u32 $0x9, v8;
	v9 =	vmul.u32 $0x9, v9  }
0x28d: {  	v10 =	vmul.u32 $0x9, v10;
	v33 =	vcvt.f32.s32 v33;
	v11 =	vmul.u32 $0x9, v11  }
0x28e: {  	v12 =	vmul.u32 $0x9, v12;
	v13 =	vmul.u32 $0x9, v13;
	v41 =	vmul.f32 $2.546478990e+00, v55  }
0x28f: {  	v48 =	vld [tilespmem:s22+$0xFFFFFF80];
	v54 =	vmul.f32 $2.546478990e+00, v61;
	v2 =	vadd.s32 v4, v2;
	v4 =	vtrunc.f32 v25  }
0x290: {  	v58 =	vld [tilespmem:s20+$0x30];
	v14 =	vmul.u32 $0x9, v14;
	v25 =	vtrunc.f32 v26;
	v26 =	vtrunc.f32 v27  }
0x291: {  	v15 =	vmul.u32 $0x9, v15;
	v27 =	vtrunc.f32 v28;
	v28 =	vtrunc.f32 v29  }
0x292: {  	v56 =	vld [tilespmem:s20+$0xFFFFFFB0];
	v16 =	vmul.u32 $0x9, v16;
	v29 =	vtrunc.f32 v30;
	v30 =	vtrunc.f32 v31  }
0x293: {  	v59 =	vld [tilespmem:s20+$0x40];
	v17 =	vmul.u32 $0x9, v17;
	v31 =	vtrunc.f32 v32;
	v32 =	vcvt.f32.s32 v57  }
0x294: {  	v18 =	vadd.s32 v19, v18;
	v19 =	vld [tilespmem:s20+$0xFFFFFF80];
	v6 =	vadd.s32 v22, v6;
	v22 =	vmul.f32 $2.546478990e+00, v48  }
0x295: {  	v20 =	vadd.s32 v20, v3;
	v3 =	vld [tilespmem:s20+$0xFFFFFF90];
	v41 =	vtrunc.f32 v41;
	v52 =	vmul.f32 $2.546478990e+00, v58  }
0x296: {  	v21 =	vadd.s32 v21, v5;
	v5 =	vld [tilespmem:s20+$0xFFFFFFA0];
	v4 =	vcvt.f32.s32 v4;
	v25 =	vcvt.f32.s32 v25  }
0x297: {  	v7 =	vadd.s32 v23, v7;
	v23 =	vld [tilespmem:s20+$0xFFFFFFC0];
	v26 =	vcvt.f32.s32 v26;
	v27 =	vcvt.f32.s32 v27  }
0x298: {  	v33 =	vmul.u32 $0x9, v33;
	v57 =	vld [tilespmem:s20+$0x20];
	v28 =	vcvt.f32.s32 v28;
	v29 =	vcvt.f32.s32 v29  }
0x299: {  	v24 =	vadd.s32 v24, v8;
	v30 =	vcvt.f32.s32 v30;
	v8 =	vtrunc.f32 v22;
	v22 =	vld [tilespmem:s20+$0xFFFFFFD0]  }
0x29a: {  	v31 =	vcvt.f32.s32 v31;
	v41 =	vcvt.f32.s32 v41;
	v49 =	vadd.s32 v4, v9;
	v9 =	vld [tilespmem:s20+$0x0]  }
0x29b: {  	v60 =	vadd.s32 v32, v17;
	v17 =	vcvt.f32.s32 v37;
	v12 =	vadd.s32 v27, v12;
	v27 =	vld [tilespmem:s20+$0x10]  }
0x29c: {  	v33 =	vadd.s32 v35, v33;
	v4 =	vcvt.f32.s32 v8;
	v8 =	vcvt.f32.s32 v34;
	v2 =	vld.idx.msk [tilespmem:v2+s0+$0x0], $0xffff  }
0x29d: {  	v26 =	vadd.s32 v26, v11;
	v11 =	vmul.f32 $2.546478990e+00, v56;
	v50 =	vmul.f32 $2.546478990e+00, v3;
	v3 =	vld [tilespmem:s20+$0xFFFFFFE0]  }
0x29e: {  	v25 =	vadd.s32 v25, v10;
	v10 =	vcvt.f32.s32 v36;
	v51 =	vmul.f32 $2.546478990e+00, v5;
	v5 =	vld [tilespmem:s20+$0xFFFFFFF0]  }
0x29f: {  	v28 =	vadd.s32 v28, v13;
	v13 =	vcvt.f32.s32 v63;
	v29 =	vadd.s32 v29, v14;
	v18 =	vld.idx.msk [tilespmem:v18+s0+$0x0], $0xffff  }
0x2a0: {  	v14 =	vcvt.f32.s32 v38;
	v30 =	vadd.s32 v30, v15;
	v15 =	vcvt.f32.s32 v39;
	v20 =	vld.idx.msk [tilespmem:v20+s0+$0x0], $0xffff  }
0x2a1: {  	v16 =	vadd.s32 v31, v16;
	v31 =	vcvt.f32.s32 v40;
	v39 =	vmul.f32 $2.546478990e+00, v59;
	v21 =	vld.idx.msk [tilespmem:v21+s0+$0x0], $0xffff  }
0x2a2: {  	v19 =	vmul.f32 $2.546478990e+00, v19;
	v23 =	vmul.f32 $2.546478990e+00, v23;
	v6 =	vld.idx.msk [tilespmem:v6+s0+$0x0], $0xffff  }
0x2a3: {  	v63 =	vmul.f32 $2.546478990e+00, v57;
	v24 =	vld.idx.msk [tilespmem:v24+s0+$0x0], $0xffff;
	v22 =	vmul.f32 $2.546478990e+00, v22  }
0x2a4: {  	v33 =	vld.idx.msk [tilespmem:v33+s0+$0x0], $0xffff;
	v50 =	vtrunc.f32 v50;
	v51 =	vtrunc.f32 v51  }
0x2a5: {  	v34 =	vtrunc.f32 v23;
	v40 =	vmul.f32 $2.546478990e+00, v9;
	v9 =	vld [tilespmem:s20+$0x50]  }
0x2a6: {  	s8 =	simm.s32 $0x14080;
	v23 =	vtrunc.f32 v54;
	v27 =	vmul.f32 $2.546478990e+00, v27;
	v55 =	vld.idx.msk [tilespmem:v25+s0+$0x0], $0xffff  }
0x2a7: {  	v56 =	vld.idx.msk [tilespmem:v26+s0+$0x0], $0xffff;
	v26 =	vtrunc.f32 v63;
	v25 =	vtrunc.f32 v39;
	[tilespmem:s8+$0x70] =	vst v2  }
0x2a8: {  	v36 =	vld.idx.msk [tilespmem:v12+s0+$0x0], $0xffff;
	v12 =	vmul.u32 $0x9, v46;
	v37 =	vcvt.f32.s32 v50;
	v35 =	vmul.f32 $2.546478990e+00, v3;
	[tilespmem:s8+$0xFFFFFF80] =	vst v18  }
0x2a9: {  	v49 =	vld.idx.msk [tilespmem:v49+s0+$0x0], $0xffff;
	v38 =	vmul.f32 $2.546478990e+00, v5;
	v3 =	vmul.u32 $0x9, v4;
	v4 =	vmul.u32 $0x9, v8;
	[tilespmem:s8+$0xFFFFFF90] =	vst v20  }
0x2aa: {  	v5 =	vmul.u32 $0x9, v10;
	v8 =	vmul.u32 $0x9, v13;
	v13 =	vmul.u32 $0x9, v14;
	[tilespmem:s8+$0xFFFFFFA0] =	vst v21  }
0x2ab: {  	v14 =	vmul.u32 $0x9, v15;
	v10 =	vmul.u32 $0x9, v17;
	v18 =	vtrunc.f32 v11;
	[tilespmem:s8+$0xFFFFFFB0] =	vst v6  }
0x2ac: {  	s22 =	simm.s32 $0x14180;
	v2 =	vld.idx.msk [tilespmem:v7+s0+$0x0], $0xffff;
	v11 =	vmul.u32 $0x9, v62;
	v15 =	vmul.u32 $0x9, v43;
	v32 =	vtrunc.f32 v40;
	[tilespmem:s8+$0xFFFFFFD0] =	vst v24  }
0x2ad: {  	v7 =	vmul.u32 $0x9, v44;
	v21 =	vtrunc.f32 v27;
	v27 =	vld.idx.msk [tilespmem:v29+s0+$0x0], $0xffff;
	[tilespmem:s22+$0x70] =	vst v33;
	v33 =	vtrunc.f32 v35  }
0x2ae: {  	v6 =	vmul.u32 $0x9, v41;
	v20 =	vtrunc.f32 v38;
	v35 =	vld.idx.msk [tilespmem:v28+s0+$0x0], $0xffff;
	v53 =	vmul.f32 $2.546478990e+00, v9;
	[tilespmem:s8+$0xFFFFFFE0] =	vst v49  }
0x2af: {  	v29 =	vld.idx.msk [tilespmem:v30+s0+$0x0], $0xffff;
	v9 =	vmul.u32 $0x9, v31;
	v31 =	vtrunc.f32 v19;
	v19 =	vtrunc.f32 v22;
	[tilespmem:s8+$0xFFFFFFF0] =	vst v55  }
0x2b0: {  	v30 =	vld.idx.msk [tilespmem:v16+s0+$0x0], $0xffff;
	v16 =	vmul.u32 $0x9, v47;
	v22 =	vtrunc.f32 v52;
	[tilespmem:s8+$0x0] =	vst v56;
	v17 =	vcvt.f32.s32 v31  }
0x2b1: {  	s9 =	simm.s32 $0x10;
	s10 =	simm.s32 $0x4280;
	v28 =	vld.idx.msk [tilespmem:v60+s0+$0x0], $0xffff;
	v31 =	vcvt.f32.s32 v51;
	[tilespmem:s8+$0xFFFFFFC0] =	vst v2;
	v2 =	vmul.u32 $0x9, v45;
	v24 =	vtrunc.f32 v53  }
.LBB2_9:
0x2b2: {  	v38 =	vld [tilespmem:s10+$0x70];
	s9 =	sadd.s32 $0x10, s9;
	v17 =	vadd.s32 v17, v3;
	v3 =	vcvt.f32.s32 v18;
	v34 =	vcvt.f32.s32 v34;
	[tilespmem:s8+$0x10] =	vst v36  }
0x2b3: {  	v33 =	vcvt.f32.s32 v33;
	s20 =	sadd.s32 $0x100, s20;
	v36 =	vld [tilespmem:s10+$0xFFFFFF90];
	p2 =	slt.u32 s9, $0x1F0;
	v18 =	vadd.s32 v37, v4;
	v4 =	vcvt.f32.s32 v19;
	[tilespmem:s8+$0x20] =	vst v35  }
0x2b4: {  	v19 =	vadd.s32 v31, v5;
	v5 =	vcvt.f32.s32 v20;
	v31 =	vcvt.f32.s32 v32;
	v35 =	vld [tilespmem:s20+$0x70];
	[tilespmem:s8+$0x30] =	vst v27  }
0x2b5: {  	v20 =	vadd.s32 v3, v8;
	v3 =	vcvt.f32.s32 v21;
	v8 =	vcvt.f32.s32 v26;
	v27 =	vld [tilespmem:s10+$0xFFFFFFA0];
	[tilespmem:s8+$0x40] =	vst v29  }
0x2b6: {  	v32 =	vcvt.f32.s32 v25;
	v21 =	vadd.s32 v34, v13;
	v13 =	vcvt.f32.s32 v22;
	v29 =	vld [tilespmem:s10+$0xFFFFFFB0];
	[tilespmem:s8+$0x50] =	vst v30  }
0x2b7: {  	v22 =	vadd.s32 v4, v14;
	v4 =	vcvt.f32.s32 v24;
	v30 =	vld [tilespmem:s10+$0xFFFFFFC0];
	v26 =	vmul.f32 $2.546478990e+00, v38;
	[tilespmem:s8+$0x60] =	vst v28;
	s8 =	smov.u32 s22  }
0x2b8: {  	v25 =	vadd.s32 v33, v9;
	v9 =	vcvt.f32.s32 v23;
	v14 =	vmul.f32 $2.546478990e+00, v36;
	v28 =	vld [tilespmem:s10+$0xFFFFFFD0]  }
0x2b9: {  	v33 =	vld [tilespmem:s10+$0xFFFFFFE0];
	v23 =	vtrunc.f32 v26;
	v24 =	vmul.f32 $2.546478990e+00, v35;
	v26 =	vadd.s32 v5, v10  }
0x2ba: {  	v5 =	vmul.f32 $2.546478990e+00, v27;
	v10 =	vld [tilespmem:s10+$0xFFFFFFF0];
	v27 =	vcvt.f32.s32 v23;
	v23 =	vadd.s32 v31, v11  }
0x2bb: {  	v11 =	vmul.f32 $2.546478990e+00, v29;
	v31 =	vld [tilespmem:s10+$0x0];
	v29 =	vtrunc.f32 v24;
	v24 =	vadd.s32 v3, v15  }
0x2bc: {  	v3 =	vmul.f32 $2.546478990e+00, v30;
	v15 =	vld [tilespmem:s10+$0x10];
	v29 =	vcvt.f32.s32 v29;
	v30 =	vmul.u32 $0x9, v27  }
0x2bd: {  	v14 =	vtrunc.f32 v14;
	v27 =	vadd.s32 v8, v7;
	v28 =	vmul.f32 $2.546478990e+00, v28;
	v34 =	vld [tilespmem:s10+$0x20]  }
0x2be: {  	v5 =	vtrunc.f32 v5;
	v7 =	vmul.f32 $2.546478990e+00, v33;
	v8 =	vld [tilespmem:s10+$0x30];
	v33 =	vadd.s32 v29, v30  }
0x2bf: {  	v11 =	vtrunc.f32 v11;
	v29 =	vadd.s32 v13, v2;
	v10 =	vmul.f32 $2.546478990e+00, v10;
	v35 =	vld [tilespmem:s10+$0x40]  }
0x2c0: {  	v2 =	vtrunc.f32 v3;
	v30 =	vadd.s32 v32, v6;
	v3 =	vmul.f32 $2.546478990e+00, v31;
	v13 =	vld [tilespmem:s10+$0x50]  }
0x2c1: {  	v6 =	vtrunc.f32 v28;
	v31 =	vadd.s32 v4, v12;
	v15 =	vmul.f32 $2.546478990e+00, v15;
	v32 =	vld [tilespmem:s10+$0x60]  }
0x2c2: {  	v28 =	vadd.s32 v9, v16;
	v7 =	vtrunc.f32 v7;
	v4 =	vld [tilespmem:s10+$0xFFFFFF80];
	v12 =	vmul.f32 $2.546478990e+00, v34  }
0x2c3: {  	v9 =	vtrunc.f32 v10;
	v8 =	vmul.f32 $2.546478990e+00, v8;
	v10 =	vld.idx.msk [tilespmem:v33+s0+$0x0], $0xffff  }
0x2c4: {  	v33 =	vtrunc.f32 v3;
	v16 =	vld [tilespmem:s20+$0xFFFFFF80];
	v3 =	vmul.f32 $2.546478990e+00, v35  }
0x2c5: {  	v15 =	vtrunc.f32 v15;
	v34 =	vld [tilespmem:s20+$0xFFFFFF90];
	v13 =	vmul.f32 $2.546478990e+00, v13  }
0x2c6: {  	v12 =	vtrunc.f32 v12;
	v35 =	vld [tilespmem:s20+$0xFFFFFFA0];
	v32 =	vmul.f32 $2.546478990e+00, v32  }
0x2c7: {  	v37 =	vtrunc.f32 v8;
	v4 =	vmul.f32 $2.546478990e+00, v4;
	v36 =	vld [tilespmem:s20+$0xFFFFFFB0]  }
0x2c8: {  	s22 =	sadd.s32 $0x100, s22;
	v38 =	vtrunc.f32 v3;
	v39 =	vtrunc.f32 v13;
	v8 =	vld [tilespmem:s20+$0xFFFFFFC0]  }
0x2c9: {  	v32 =	vtrunc.f32 v32;
	v3 =	vtrunc.f32 v4;
	v13 =	vld [tilespmem:s20+$0xFFFFFFD0];
	[tilespmem:s22+$0x70] =	vst v10  }
0x2ca: {  	v16 =	vmul.f32 $2.546478990e+00, v16;
	v34 =	vmul.f32 $2.546478990e+00, v34;
	v10 =	vld [tilespmem:s20+$0xFFFFFFE0]  }
0x2cb: {  	v3 =	vcvt.f32.s32 v3;
	v35 =	vmul.f32 $2.546478990e+00, v35;
	v40 =	vld [tilespmem:s20+$0xFFFFFFF0]  }
0x2cc: {  	v4 =	vcvt.f32.s32 v14;
	v36 =	vmul.f32 $2.546478990e+00, v36;
	v14 =	vld [tilespmem:s20+$0x0]  }
0x2cd: {  	v5 =	vcvt.f32.s32 v5;
	v3 =	vmul.u32 $0x9, v3;
	v41 =	vmul.f32 $2.546478990e+00, v8;
	v42 =	vld [tilespmem:s20+$0x10]  }
0x2ce: {  	v4 =	vmul.u32 $0x9, v4;
	v8 =	vcvt.f32.s32 v11;
	v43 =	vmul.f32 $2.546478990e+00, v13;
	v11 =	vld [tilespmem:s20+$0x20]  }
0x2cf: {  	v5 =	vmul.u32 $0x9, v5;
	v2 =	vcvt.f32.s32 v2;
	v44 =	vmul.f32 $2.546478990e+00, v10;
	v45 =	vld [tilespmem:s20+$0x30]  }
0x2d0: {  	v6 =	vcvt.f32.s32 v6;
	v8 =	vmul.u32 $0x9, v8;
	v40 =	vmul.f32 $2.546478990e+00, v40;
	v46 =	vld [tilespmem:s20+$0x40]  }
0x2d1: {  	v13 =	vmul.u32 $0x9, v2;
	v2 =	vcvt.f32.s32 v7;
	v47 =	vmul.f32 $2.546478990e+00, v14;
	v7 =	vld [tilespmem:s20+$0x50]  }
0x2d2: {  	v14 =	vmul.u32 $0x9, v6;
	v6 =	vcvt.f32.s32 v9;
	v42 =	vmul.f32 $2.546478990e+00, v42;
	v48 =	vld [tilespmem:s20+$0x60]  }
0x2d3: {  	v9 =	vmul.u32 $0x9, v2;
	v2 =	vcvt.f32.s32 v33;
	v49 =	vmul.f32 $2.546478990e+00, v11;
	v17 =	vld.idx.msk [tilespmem:v17+s0+$0x0], $0xffff  }
0x2d4: {  	v10 =	vmul.u32 $0x9, v6;
	v6 =	vcvt.f32.s32 v15;
	v45 =	vmul.f32 $2.546478990e+00, v45;
	v33 =	vld.idx.msk [tilespmem:v18+s0+$0x0], $0xffff  }
0x2d5: {  	v11 =	vmul.u32 $0x9, v2;
	v2 =	vcvt.f32.s32 v12;
	v46 =	vmul.f32 $2.546478990e+00, v46;
	v50 =	vld.idx.msk [tilespmem:v19+s0+$0x0], $0xffff  }
0x2d6: {  	v15 =	vmul.u32 $0x9, v6;
	v6 =	vcvt.f32.s32 v37;
	v37 =	vmul.f32 $2.546478990e+00, v7;
	v51 =	vld.idx.msk [tilespmem:v20+s0+$0x0], $0xffff  }
0x2d7: {  	v12 =	vcvt.f32.s32 v38;
	v7 =	vmul.u32 $0x9, v2;
	v38 =	vmul.f32 $2.546478990e+00, v48;
	v48 =	vld.idx.msk [tilespmem:v21+s0+$0x0], $0xffff  }
0x2d8: {  	v19 =	vcvt.f32.s32 v39;
	v20 =	vcvt.f32.s32 v32;
	v2 =	vmul.u32 $0x9, v6;
	v39 =	vld.idx.msk [tilespmem:v22+s0+$0x0], $0xffff  }
0x2d9: {  	v52 =	vtrunc.f32 v16;
	v53 =	vtrunc.f32 v34;
	v6 =	vmul.u32 $0x9, v12;
	[tilespmem:s8+$0xFFFFFF80] =	vst v17;
	v17 =	vld.idx.msk [tilespmem:v25+s0+$0x0], $0xffff  }
0x2da: {  	v54 =	vtrunc.f32 v35;
	v18 =	vtrunc.f32 v36;
	v12 =	vmul.u32 $0x9, v19;
	[tilespmem:s8+$0xFFFFFF90] =	vst v33;
	v55 =	vld.idx.msk [tilespmem:v26+s0+$0x0], $0xffff  }
0x2db: {  	v34 =	vtrunc.f32 v41;
	v19 =	vtrunc.f32 v43;
	v16 =	vmul.u32 $0x9, v20;
	[tilespmem:s8+$0xFFFFFFA0] =	vst v50;
	v41 =	vld.idx.msk [tilespmem:v23+s0+$0x0], $0xffff  }
0x2dc: {  	v20 =	vtrunc.f32 v40;
	v33 =	vtrunc.f32 v44;
	[tilespmem:s8+$0xFFFFFFB0] =	vst v51;
	v36 =	vld.idx.msk [tilespmem:v24+s0+$0x0], $0xffff  }
.Ltmp5:
0x2dd: {  	v32 =	vtrunc.f32 v47;
	v21 =	vtrunc.f32 v42;
	[tilespmem:s8+$0xFFFFFFC0] =	vst v48;
	v35 =	vld.idx.msk [tilespmem:v27+s0+$0x0], $0xffff;
	(pc) =	sbr.rel @p2 .LBB2_9-.Ltmp5, $4  }
0x2de: {  	v22 =	vtrunc.f32 v45;
	v26 =	vtrunc.f32 v49;
	[tilespmem:s8+$0xFFFFFFD0] =	vst v39;
	v27 =	vld.idx.msk [tilespmem:v29+s0+$0x0], $0xffff  }
0x2df: {  	v25 =	vtrunc.f32 v46;
	v24 =	vtrunc.f32 v37;
	[tilespmem:s8+$0xFFFFFFE0] =	vst v17;
	v29 =	vld.idx.msk [tilespmem:v30+s0+$0x0], $0xffff  }
0x2e0: {  	v23 =	vtrunc.f32 v38;
	v17 =	vcvt.f32.s32 v52;
	[tilespmem:s8+$0xFFFFFFF0] =	vst v55;
	v30 =	vld.idx.msk [tilespmem:v31+s0+$0x0], $0xffff  }
0x2e1: {  	s10 =	sadd.s32 $0x100, s10;
	v37 =	vcvt.f32.s32 v53;
	v31 =	vcvt.f32.s32 v54;
	[tilespmem:s8+$0x0] =	vst v41;
	v28 =	vld.idx.msk [tilespmem:v28+s0+$0x0], $0xffff  }
0x2e2: {  	v3 =	vadd.s32 v17, v3  }
0x2e3: {  	v17 =	vcvt.f32.s32 v18;
	v4 =	vadd.s32 v37, v4  }
0x2e4: {  	v18 =	vcvt.f32.s32 v34;
	v5 =	vadd.s32 v31, v5  }
0x2e5: {  	v19 =	vcvt.f32.s32 v19;
	v8 =	vadd.s32 v17, v8  }
0x2e6: {  	[tilespmem:s8+$0x10] =	vst v36;
	v17 =	vcvt.f32.s32 v33;
	v13 =	vadd.s32 v18, v13  }
0x2e7: {  	[tilespmem:s8+$0x20] =	vst v35;
	v18 =	vcvt.f32.s32 v20;
	v14 =	vadd.s32 v19, v14;
	v3 =	vld.idx.msk [tilespmem:v3+s0+$0x0], $0xffff  }
0x2e8: {  	[tilespmem:s8+$0x30] =	vst v27;
	v19 =	vcvt.f32.s32 v32;
	v9 =	vadd.s32 v17, v9;
	v4 =	vld.idx.msk [tilespmem:v4+s0+$0x0], $0xffff  }
0x2e9: {  	[tilespmem:s8+$0x40] =	vst v29;
	v10 =	vadd.s32 v18, v10;
	v18 =	vcvt.f32.s32 v26;
	v5 =	vld.idx.msk [tilespmem:v5+s0+$0x0], $0xffff  }
0x2ea: {  	[tilespmem:s8+$0x50] =	vst v30;
	v17 =	vcvt.f32.s32 v21;
	v11 =	vadd.s32 v19, v11;
	v19 =	vcvt.f32.s32 v22;
	v8 =	vld.idx.msk [tilespmem:v8+s0+$0x0], $0xffff  }
0x2eb: {  	[tilespmem:s8+$0x60] =	vst v28;
	v7 =	vadd.s32 v18, v7;
	v13 =	vld.idx.msk [tilespmem:v13+s0+$0x0], $0xffff  }
0x2ec: {  	v15 =	vadd.s32 v17, v15;
	v17 =	vcvt.f32.s32 v25;
	v2 =	vadd.s32 v19, v2;
	v14 =	vld.idx.msk [tilespmem:v14+s0+$0x0], $0xffff;
	[tilespmem:s22+$0xFFFFFF80] =	vst v3  }
0x2ed: {  	v9 =	vld.idx.msk [tilespmem:v9+s0+$0x0], $0xffff;
	v3 =	vcvt.f32.s32 v24;
	[tilespmem:s22+$0xFFFFFF90] =	vst v4  }
0x2ee: {  	v6 =	vadd.s32 v17, v6;
	v10 =	vld.idx.msk [tilespmem:v10+s0+$0x0], $0xffff;
	v4 =	vcvt.f32.s32 v23;
	[tilespmem:s22+$0xFFFFFFA0] =	vst v5  }
0x2ef: {  	v5 =	vld.idx.msk [tilespmem:v11+s0+$0x0], $0xffff;
	v3 =	vadd.s32 v3, v12;
	[tilespmem:s22+$0xFFFFFFB0] =	vst v8  }
0x2f0: {  	v7 =	vld.idx.msk [tilespmem:v7+s0+$0x0], $0xffff;
	[tilespmem:s22+$0xFFFFFFC0] =	vst v13;
	v4 =	vadd.s32 v4, v16  }
0x2f1: {  	v2 =	vld.idx.msk [tilespmem:v2+s0+$0x0], $0xffff;
	[tilespmem:s22+$0xFFFFFFD0] =	vst v14  }
0x2f2: {  	v8 =	vld.idx.msk [tilespmem:v15+s0+$0x0], $0xffff;
	[tilespmem:s22+$0xFFFFFFE0] =	vst v9  }
0x2f3: {  	v6 =	vld.idx.msk [tilespmem:v6+s0+$0x0], $0xffff;
	[tilespmem:s22+$0xFFFFFFF0] =	vst v10  }
0x2f4: {  	[tilespmem:s22+$0x0] =	vst v5;
	v3 =	vld.idx.msk [tilespmem:v3+s0+$0x0], $0xffff  }
0x2f5: {  	[tilespmem:s22+$0x20] =	vst v7;
	v4 =	vld.idx.msk [tilespmem:v4+s0+$0x0], $0xffff  }
0x2f6: {  	[tilespmem:s22+$0x30] =	vst v2  }
0x2f7: {  	[tilespmem:s22+$0x10] =	vst v8  }
0x2f8: {  	[tilespmem:s22+$0x40] =	vst v6  }
0x2f9: {  	s8 =	sadd.s32 @!p1 s14, s18;
	[tilespmem:s22+$0x50] =	vst v3  }
0x2fa: {  	s9 =	sadd.s32 $0x800, s15;
	s8 =	sshrl.u32 @!p1 s8, $0x3;
	[tilespmem:s22+$0x60] =	vst v4  }
0x2fb: {  	[hbm4b:s9+s6] =	stream.linear.scatter [tilespmem:s25], [sflag:$0x7], $0x2000, $0x38;
	[tilespmem:$0x18180] =	vst v63  }
0x2fc: {  	s10 =	simm.s32 @!p1 $0x0;
	s20 =	simm.s32 @!p1 $0x4000;
	s9 =	sadd.s32 @!p1 s1, s8  }
0x2fd: {  	[tilespmem:s20], [sflag:$0x3] =	stream.linear.gather @!p1 [hbm4b:s9+s10], $0x2000, $0x38;
	[tilespmem:$0x18180] =	vst v63  }
0x2fe: {  	s8 =	sadd.s32 @!p1 s2, s8;
	s9 =	simm.s32 @!p1 $0xC000  }
0x2ff: {  	[tilespmem:s9], [sflag:$0x3] =	stream.linear.gather @!p1 [hbm4b:s8+s10], $0x2000, $0x38;
	[tilespmem:$0x18180] =	vst v63  }
0x300: {  	_ =	swait.ge [sflag:s26], $0x2000  }
0x301: {  	[sflag:s26] =	ssyncset.done $0x0  }
0x302: {  	[sflag:s26] =	ssyncadd.s32 $0xFFFFE000  }
0x303: {  	_ =	swait.ge [sflag:s26], $0x2000  }
0x304: {  	[sflag:s26] =	ssyncset.done $0x0  }
0x305: {  	s8 =	simm.s32 @!p0 $0x8;
	[sflag:s26] =	ssyncadd.s32 $0xFFFFE000  }
0x306: {  	_ =	swait.ge @!p0 [sflag:s8], $0x2000  }
0x307: {  	[sflag:s8] =	ssyncset.done @!p0 $0x0  }
0x308: {  	s10 =	simm.s32 $0x6080;
	[sflag:s8] =	ssyncadd.s32 @!p0 $0xFFFFE000  }
0x309: {  	v2 =	vld [tilespmem:s10+$0x70]  }
0x30a: {  	s20 =	simm.s32 $0xE080;
	v3 =	vld [tilespmem:s10+$0xFFFFFF90]  }
0x30b: {  	v4 =	vld [tilespmem:s20+$0x70]  }
0x30c: {  	v5 =	vld [tilespmem:s10+$0xFFFFFFA0]  }
0x30d: {  	v6 =	vld [tilespmem:s10+$0xFFFFFFB0]  }
0x30e: {  	v7 =	vld [tilespmem:s10+$0xFFFFFFC0]  }
0x30f: {  	v8 =	vld [tilespmem:s10+$0xFFFFFFD0]  }
0x310: {  	v9 =	vld [tilespmem:s10+$0xFFFFFFE0]  }
0x311: {  	v10 =	vld [tilespmem:s10+$0xFFFFFFF0]  }
0x312: {  	v11 =	vld [tilespmem:s10+$0x0]  }
0x313: {  	v12 =	vld [tilespmem:s10+$0x10]  }
0x314: {  	v13 =	vld [tilespmem:s10+$0x20]  }
0x315: {  	v14 =	vld [tilespmem:s10+$0x30]  }
0x316: {  	v15 =	vld [tilespmem:s10+$0x40]  }
0x317: {  	v16 =	vld [tilespmem:s10+$0x50]  }
0x318: {  	v17 =	vld [tilespmem:s10+$0x60]  }
0x319: {  	v18 =	vld [tilespmem:s10+$0xFFFFFF80]  }
0x31a: {  	v19 =	vld [tilespmem:s20+$0xFFFFFF80]  }
0x31b: {  	v20 =	vld [tilespmem:s20+$0xFFFFFF90]  }
0x31c: {  	v21 =	vld [tilespmem:s20+$0xFFFFFFA0]  }
0x31d: {  	v22 =	vld [tilespmem:s20+$0xFFFFFFB0]  }
0x31e: {  	v23 =	vld [tilespmem:s20+$0xFFFFFFC0]  }
0x31f: {  	v24 =	vld [tilespmem:s20+$0xFFFFFFD0]  }
0x320: {  	v25 =	vld [tilespmem:s20+$0xFFFFFFE0]  }
0x321: {  	v26 =	vld [tilespmem:s20+$0xFFFFFFF0]  }
0x322: {  	v27 =	vld [tilespmem:s20+$0x0]  }
0x323: {  	v28 =	vld [tilespmem:s20+$0x10]  }
0x324: {  	v29 =	vld [tilespmem:s20+$0x20];
	v2 =	vmul.f32 $2.546478990e+00, v2  }
0x325: {  	v30 =	vld [tilespmem:s20+$0x30];
	v3 =	vmul.f32 $2.546478990e+00, v3;
	v4 =	vmul.f32 $2.546478990e+00, v4  }
0x326: {  	v31 =	vld [tilespmem:s20+$0x40];
	v5 =	vmul.f32 $2.546478990e+00, v5;
	v6 =	vmul.f32 $2.546478990e+00, v6  }
0x327: {  	v55 =	vld [tilespmem:s20+$0x50];
	v7 =	vmul.f32 $2.546478990e+00, v7;
	v8 =	vmul.f32 $2.546478990e+00, v8  }
0x328: {  	s22 =	simm.s32 $0x6180;
	v56 =	vld [tilespmem:s20+$0x60];
	v9 =	vmul.f32 $2.546478990e+00, v9;
	v10 =	vmul.f32 $2.546478990e+00, v10  }
0x329: {  	v59 =	vld [tilespmem:s22+$0xFFFFFF90];
	v11 =	vmul.f32 $2.546478990e+00, v11;
	v12 =	vmul.f32 $2.546478990e+00, v12  }
0x32a: {  	v61 =	vld [tilespmem:s22+$0xFFFFFFA0];
	v13 =	vmul.f32 $2.546478990e+00, v13;
	v14 =	vmul.f32 $2.546478990e+00, v14  }
0x32b: {  	v62 =	vld [tilespmem:s22+$0xFFFFFFB0];
	v15 =	vmul.f32 $2.546478990e+00, v15;
	v16 =	vmul.f32 $2.546478990e+00, v16  }
0x32c: {  	v38 =	vld [tilespmem:s22+$0xFFFFFFC0];
	v17 =	vmul.f32 $2.546478990e+00, v17;
	v18 =	vmul.f32 $2.546478990e+00, v18  }
0x32d: {  	v39 =	vld [tilespmem:s22+$0xFFFFFFD0];
	v19 =	vmul.f32 $2.546478990e+00, v19;
	v20 =	vmul.f32 $2.546478990e+00, v20  }
0x32e: {  	v40 =	vld [tilespmem:s22+$0xFFFFFFE0];
	v21 =	vmul.f32 $2.546478990e+00, v21;
	v22 =	vmul.f32 $2.546478990e+00, v22  }
0x32f: {  	v41 =	vld [tilespmem:s22+$0xFFFFFFF0];
	v23 =	vmul.f32 $2.546478990e+00, v23;
	v24 =	vmul.f32 $2.546478990e+00, v24  }
0x330: {  	v42 =	vld [tilespmem:s22+$0x0];
	v25 =	vmul.f32 $2.546478990e+00, v25;
	v26 =	vmul.f32 $2.546478990e+00, v26  }
0x331: {  	v43 =	vld [tilespmem:s22+$0x10];
	v27 =	vmul.f32 $2.546478990e+00, v27;
	v28 =	vmul.f32 $2.546478990e+00, v28  }
0x332: {  	v44 =	vld [tilespmem:s22+$0x20];
	v29 =	vmul.f32 $2.546478990e+00, v29;
	v30 =	vmul.f32 $2.546478990e+00, v30  }
0x333: {  	v45 =	vld [tilespmem:s22+$0x30];
	v31 =	vmul.f32 $2.546478990e+00, v31;
	v32 =	vmul.f32 $2.546478990e+00, v55  }
0x334: {  	v46 =	vld [tilespmem:s22+$0x50];
	v33 =	vmul.f32 $2.546478990e+00, v56;
	v34 =	vmul.f32 $2.546478990e+00, v59  }
0x335: {  	s20 =	simm.s32 $0xE180;
	v47 =	vld [tilespmem:s22+$0x60];
	v36 =	vmul.f32 $2.546478990e+00, v61;
	v37 =	vmul.f32 $2.546478990e+00, v62  }
0x336: {  	v60 =	vld [tilespmem:s20+$0x70];
	v38 =	vmul.f32 $2.546478990e+00, v38;
	v39 =	vmul.f32 $2.546478990e+00, v39  }
0x337: {  	v40 =	vmul.f32 $2.546478990e+00, v40;
	v54 =	vmul.f32 $2.546478990e+00, v41  }
0x338: {  	v42 =	vmul.f32 $2.546478990e+00, v42;
	v43 =	vmul.f32 $2.546478990e+00, v43  }
0x339: {  	v44 =	vmul.f32 $2.546478990e+00, v44;
	v45 =	vmul.f32 $2.546478990e+00, v45  }
0x33a: {  	v46 =	vmul.f32 $2.546478990e+00, v46;
	v47 =	vmul.f32 $2.546478990e+00, v47  }
0x33b: {  	v35 =	vmul.f32 $2.546478990e+00, v60;
	v2 =	vtrunc.f32 v2  }
0x33c: {  	v4 =	vtrunc.f32 v4;
	v3 =	vtrunc.f32 v3  }
0x33d: {  	v5 =	vtrunc.f32 v5;
	v6 =	vtrunc.f32 v6  }
0x33e: {  	v7 =	vtrunc.f32 v7;
	v8 =	vtrunc.f32 v8  }
0x33f: {  	v9 =	vtrunc.f32 v9;
	v10 =	vtrunc.f32 v10  }
0x340: {  	v11 =	vtrunc.f32 v11;
	v12 =	vtrunc.f32 v12  }
0x341: {  	v13 =	vtrunc.f32 v13;
	v14 =	vtrunc.f32 v14  }
0x342: {  	v58 =	vld [tilespmem:s22+$0x70];
	v15 =	vtrunc.f32 v15;
	v16 =	vtrunc.f32 v16  }
0x343: {  	v18 =	vtrunc.f32 v18;
	v17 =	vtrunc.f32 v17  }
0x344: {  	v19 =	vtrunc.f32 v19;
	v20 =	vtrunc.f32 v20  }
0x345: {  	v21 =	vtrunc.f32 v21;
	v22 =	vtrunc.f32 v22  }
0x346: {  	v23 =	vtrunc.f32 v23;
	v24 =	vtrunc.f32 v24  }
0x347: {  	v57 =	vtrunc.f32 v33;
	v33 =	vmul.f32 $2.546478990e+00, v58  }
0x348: {  	v34 =	vtrunc.f32 v34;
	v36 =	vtrunc.f32 v36  }
0x349: {  	v63 =	vtrunc.f32 v37;
	v38 =	vtrunc.f32 v38  }
0x34a: {  	v39 =	vtrunc.f32 v39;
	v40 =	vtrunc.f32 v40  }
0x34b: {  	v37 =	vtrunc.f32 v54;
	v42 =	vtrunc.f32 v42  }
0x34c: {  	v43 =	vtrunc.f32 v43;
	v44 =	vtrunc.f32 v44  }
0x34d: {  	v45 =	vtrunc.f32 v45;
	v46 =	vtrunc.f32 v46  }
0x34e: {  	v47 =	vtrunc.f32 v47;
	v2 =	vcvt.f32.s32 v2  }
0x34f: {  	v4 =	vcvt.f32.s32 v4;
	v18 =	vcvt.f32.s32 v18  }
0x350: {  	v3 =	vcvt.f32.s32 v3;
	v5 =	vcvt.f32.s32 v5  }
0x351: {  	v6 =	vcvt.f32.s32 v6;
	v7 =	vcvt.f32.s32 v7  }
0x352: {  	v8 =	vcvt.f32.s32 v8;
	v9 =	vcvt.f32.s32 v9  }
0x353: {  	v10 =	vcvt.f32.s32 v10;
	v11 =	vcvt.f32.s32 v11  }
0x354: {  	v12 =	vcvt.f32.s32 v12;
	v13 =	vcvt.f32.s32 v13  }
0x355: {  	v14 =	vcvt.f32.s32 v14;
	v15 =	vcvt.f32.s32 v15  }
0x356: {  	v16 =	vcvt.f32.s32 v16;
	v17 =	vcvt.f32.s32 v17  }
0x357: {  	v19 =	vcvt.f32.s32 v19;
	v20 =	vcvt.f32.s32 v20  }
0x358: {  	v21 =	vcvt.f32.s32 v21;
	v22 =	vcvt.f32.s32 v22  }
0x359: {  	v23 =	vcvt.f32.s32 v23;
	v24 =	vcvt.f32.s32 v24  }
0x35a: {  	v35 =	vtrunc.f32 v35;
	v62 =	vcvt.f32.s32 v42  }
0x35b: {  	v43 =	vcvt.f32.s32 v43;
	v44 =	vcvt.f32.s32 v44  }
0x35c: {  	v45 =	vcvt.f32.s32 v45;
	v46 =	vcvt.f32.s32 v46  }
0x35d: {  	v55 =	vld [tilespmem:s22+$0x40];
	v47 =	vcvt.f32.s32 v47;
	v33 =	vtrunc.f32 v33  }
0x35e: {  	v61 =	vld [tilespmem:s20+$0x60];
	v35 =	vcvt.f32.s32 v35;
	v2 =	vmul.u32 $0x9, v2;
	v18 =	vmul.u32 $0x9, v18  }
0x35f: {  	v3 =	vmul.u32 $0x9, v3;
	v5 =	vmul.u32 $0x9, v5;
	v6 =	vmul.u32 $0x9, v6  }
0x360: {  	v7 =	vmul.u32 $0x9, v7;
	v8 =	vmul.u32 $0x9, v8;
	v9 =	vmul.u32 $0x9, v9  }
0x361: {  	v10 =	vmul.u32 $0x9, v10;
	v33 =	vcvt.f32.s32 v33;
	v11 =	vmul.u32 $0x9, v11  }
0x362: {  	v12 =	vmul.u32 $0x9, v12;
	v13 =	vmul.u32 $0x9, v13;
	v41 =	vmul.f32 $2.546478990e+00, v55  }
0x363: {  	v48 =	vld [tilespmem:s22+$0xFFFFFF80];
	v54 =	vmul.f32 $2.546478990e+00, v61;
	v2 =	vadd.s32 v4, v2;
	v4 =	vtrunc.f32 v25  }
0x364: {  	v58 =	vld [tilespmem:s20+$0x30];
	v14 =	vmul.u32 $0x9, v14;
	v25 =	vtrunc.f32 v26;
	v26 =	vtrunc.f32 v27  }
0x365: {  	v15 =	vmul.u32 $0x9, v15;
	v27 =	vtrunc.f32 v28;
	v28 =	vtrunc.f32 v29  }
0x366: {  	v56 =	vld [tilespmem:s20+$0xFFFFFFB0];
	v16 =	vmul.u32 $0x9, v16;
	v29 =	vtrunc.f32 v30;
	v30 =	vtrunc.f32 v31  }
0x367: {  	v59 =	vld [tilespmem:s20+$0x40];
	v17 =	vmul.u32 $0x9, v17;
	v31 =	vtrunc.f32 v32;
	v32 =	vcvt.f32.s32 v57  }
0x368: {  	v18 =	vadd.s32 v19, v18;
	v19 =	vld [tilespmem:s20+$0xFFFFFF80];
	v6 =	vadd.s32 v22, v6;
	v22 =	vmul.f32 $2.546478990e+00, v48  }
0x369: {  	v20 =	vadd.s32 v20, v3;
	v3 =	vld [tilespmem:s20+$0xFFFFFF90];
	v41 =	vtrunc.f32 v41;
	v52 =	vmul.f32 $2.546478990e+00, v58  }
0x36a: {  	v21 =	vadd.s32 v21, v5;
	v5 =	vld [tilespmem:s20+$0xFFFFFFA0];
	v4 =	vcvt.f32.s32 v4;
	v25 =	vcvt.f32.s32 v25  }
0x36b: {  	v7 =	vadd.s32 v23, v7;
	v23 =	vld [tilespmem:s20+$0xFFFFFFC0];
	v26 =	vcvt.f32.s32 v26;
	v27 =	vcvt.f32.s32 v27  }
0x36c: {  	v33 =	vmul.u32 $0x9, v33;
	v57 =	vld [tilespmem:s20+$0x20];
	v28 =	vcvt.f32.s32 v28;
	v29 =	vcvt.f32.s32 v29  }
0x36d: {  	v24 =	vadd.s32 v24, v8;
	v30 =	vcvt.f32.s32 v30;
	v8 =	vtrunc.f32 v22;
	v22 =	vld [tilespmem:s20+$0xFFFFFFD0]  }
0x36e: {  	v31 =	vcvt.f32.s32 v31;
	v41 =	vcvt.f32.s32 v41;
	v49 =	vadd.s32 v4, v9;
	v9 =	vld [tilespmem:s20+$0x0]  }
0x36f: {  	v60 =	vadd.s32 v32, v17;
	v17 =	vcvt.f32.s32 v37;
	v12 =	vadd.s32 v27, v12;
	v27 =	vld [tilespmem:s20+$0x10]  }
0x370: {  	v33 =	vadd.s32 v35, v33;
	v4 =	vcvt.f32.s32 v8;
	v8 =	vcvt.f32.s32 v34;
	v2 =	vld.idx.msk [tilespmem:v2+s0+$0x0], $0xffff  }
0x371: {  	v26 =	vadd.s32 v26, v11;
	v11 =	vmul.f32 $2.546478990e+00, v56;
	v50 =	vmul.f32 $2.546478990e+00, v3;
	v3 =	vld [tilespmem:s20+$0xFFFFFFE0]  }
0x372: {  	v25 =	vadd.s32 v25, v10;
	v10 =	vcvt.f32.s32 v36;
	v51 =	vmul.f32 $2.546478990e+00, v5;
	v5 =	vld [tilespmem:s20+$0xFFFFFFF0]  }
0x373: {  	v28 =	vadd.s32 v28, v13;
	v13 =	vcvt.f32.s32 v63;
	v29 =	vadd.s32 v29, v14;
	v18 =	vld.idx.msk [tilespmem:v18+s0+$0x0], $0xffff  }
0x374: {  	v14 =	vcvt.f32.s32 v38;
	v30 =	vadd.s32 v30, v15;
	v15 =	vcvt.f32.s32 v39;
	v20 =	vld.idx.msk [tilespmem:v20+s0+$0x0], $0xffff  }
0x375: {  	v16 =	vadd.s32 v31, v16;
	v31 =	vcvt.f32.s32 v40;
	v39 =	vmul.f32 $2.546478990e+00, v59;
	v21 =	vld.idx.msk [tilespmem:v21+s0+$0x0], $0xffff  }
0x376: {  	v19 =	vmul.f32 $2.546478990e+00, v19;
	v23 =	vmul.f32 $2.546478990e+00, v23;
	v6 =	vld.idx.msk [tilespmem:v6+s0+$0x0], $0xffff  }
0x377: {  	v63 =	vmul.f32 $2.546478990e+00, v57;
	v24 =	vld.idx.msk [tilespmem:v24+s0+$0x0], $0xffff;
	v22 =	vmul.f32 $2.546478990e+00, v22  }
0x378: {  	v33 =	vld.idx.msk [tilespmem:v33+s0+$0x0], $0xffff;
	v50 =	vtrunc.f32 v50;
	v51 =	vtrunc.f32 v51  }
0x379: {  	v34 =	vtrunc.f32 v23;
	v40 =	vmul.f32 $2.546478990e+00, v9;
	v9 =	vld [tilespmem:s20+$0x50]  }
0x37a: {  	s8 =	simm.s32 $0x16080;
	v23 =	vtrunc.f32 v54;
	v27 =	vmul.f32 $2.546478990e+00, v27;
	v55 =	vld.idx.msk [tilespmem:v25+s0+$0x0], $0xffff  }
0x37b: {  	v56 =	vld.idx.msk [tilespmem:v26+s0+$0x0], $0xffff;
	v26 =	vtrunc.f32 v63;
	v25 =	vtrunc.f32 v39;
	[tilespmem:s8+$0x70] =	vst v2  }
0x37c: {  	v36 =	vld.idx.msk [tilespmem:v12+s0+$0x0], $0xffff;
	v12 =	vmul.u32 $0x9, v46;
	v37 =	vcvt.f32.s32 v50;
	v35 =	vmul.f32 $2.546478990e+00, v3;
	[tilespmem:s8+$0xFFFFFF80] =	vst v18  }
0x37d: {  	v49 =	vld.idx.msk [tilespmem:v49+s0+$0x0], $0xffff;
	v38 =	vmul.f32 $2.546478990e+00, v5;
	v3 =	vmul.u32 $0x9, v4;
	v4 =	vmul.u32 $0x9, v8;
	[tilespmem:s8+$0xFFFFFF90] =	vst v20  }
0x37e: {  	v5 =	vmul.u32 $0x9, v10;
	v8 =	vmul.u32 $0x9, v13;
	v13 =	vmul.u32 $0x9, v14;
	[tilespmem:s8+$0xFFFFFFA0] =	vst v21  }
0x37f: {  	v14 =	vmul.u32 $0x9, v15;
	v10 =	vmul.u32 $0x9, v17;
	v18 =	vtrunc.f32 v11;
	[tilespmem:s8+$0xFFFFFFB0] =	vst v6  }
0x380: {  	s22 =	simm.s32 $0x16180;
	v2 =	vld.idx.msk [tilespmem:v7+s0+$0x0], $0xffff;
	v11 =	vmul.u32 $0x9, v62;
	v15 =	vmul.u32 $0x9, v43;
	v32 =	vtrunc.f32 v40;
	[tilespmem:s8+$0xFFFFFFD0] =	vst v24  }
0x381: {  	v7 =	vmul.u32 $0x9, v44;
	v21 =	vtrunc.f32 v27;
	v27 =	vld.idx.msk [tilespmem:v29+s0+$0x0], $0xffff;
	[tilespmem:s22+$0x70] =	vst v33;
	v33 =	vtrunc.f32 v35  }
0x382: {  	v6 =	vmul.u32 $0x9, v41;
	v20 =	vtrunc.f32 v38;
	v35 =	vld.idx.msk [tilespmem:v28+s0+$0x0], $0xffff;
	v53 =	vmul.f32 $2.546478990e+00, v9;
	[tilespmem:s8+$0xFFFFFFE0] =	vst v49  }
0x383: {  	v29 =	vld.idx.msk [tilespmem:v30+s0+$0x0], $0xffff;
	v9 =	vmul.u32 $0x9, v31;
	v31 =	vtrunc.f32 v19;
	v19 =	vtrunc.f32 v22;
	[tilespmem:s8+$0xFFFFFFF0] =	vst v55  }
0x384: {  	v30 =	vld.idx.msk [tilespmem:v16+s0+$0x0], $0xffff;
	v16 =	vmul.u32 $0x9, v47;
	v22 =	vtrunc.f32 v52;
	[tilespmem:s8+$0x0] =	vst v56;
	v17 =	vcvt.f32.s32 v31  }
0x385: {  	s9 =	simm.s32 $0x10;
	s10 =	simm.s32 $0x6280;
	v28 =	vld.idx.msk [tilespmem:v60+s0+$0x0], $0xffff;
	v31 =	vcvt.f32.s32 v51;
	[tilespmem:s8+$0xFFFFFFC0] =	vst v2;
	v2 =	vmul.u32 $0x9, v45;
	v24 =	vtrunc.f32 v53  }
.LBB2_11:
0x386: {  	v38 =	vld [tilespmem:s10+$0x70];
	s9 =	sadd.s32 $0x10, s9;
	v17 =	vadd.s32 v17, v3;
	v3 =	vcvt.f32.s32 v18;
	v34 =	vcvt.f32.s32 v34;
	[tilespmem:s8+$0x10] =	vst v36  }
0x387: {  	v33 =	vcvt.f32.s32 v33;
	s20 =	sadd.s32 $0x100, s20;
	v36 =	vld [tilespmem:s10+$0xFFFFFF90];
	p0 =	slt.u32 s9, $0x1F0;
	v18 =	vadd.s32 v37, v4;
	v4 =	vcvt.f32.s32 v19;
	[tilespmem:s8+$0x20] =	vst v35  }
0x388: {  	v19 =	vadd.s32 v31, v5;
	v5 =	vcvt.f32.s32 v20;
	v31 =	vcvt.f32.s32 v32;
	v35 =	vld [tilespmem:s20+$0x70];
	[tilespmem:s8+$0x30] =	vst v27  }
0x389: {  	v20 =	vadd.s32 v3, v8;
	v3 =	vcvt.f32.s32 v21;
	v8 =	vcvt.f32.s32 v26;
	v27 =	vld [tilespmem:s10+$0xFFFFFFA0];
	[tilespmem:s8+$0x40] =	vst v29  }
0x38a: {  	v32 =	vcvt.f32.s32 v25;
	v21 =	vadd.s32 v34, v13;
	v13 =	vcvt.f32.s32 v22;
	v29 =	vld [tilespmem:s10+$0xFFFFFFB0];
	[tilespmem:s8+$0x50] =	vst v30  }
0x38b: {  	v22 =	vadd.s32 v4, v14;
	v4 =	vcvt.f32.s32 v24;
	v30 =	vld [tilespmem:s10+$0xFFFFFFC0];
	v26 =	vmul.f32 $2.546478990e+00, v38;
	[tilespmem:s8+$0x60] =	vst v28;
	s8 =	smov.u32 s22  }
0x38c: {  	v25 =	vadd.s32 v33, v9;
	v9 =	vcvt.f32.s32 v23;
	v14 =	vmul.f32 $2.546478990e+00, v36;
	v28 =	vld [tilespmem:s10+$0xFFFFFFD0]  }
0x38d: {  	v33 =	vld [tilespmem:s10+$0xFFFFFFE0];
	v23 =	vtrunc.f32 v26;
	v24 =	vmul.f32 $2.546478990e+00, v35;
	v26 =	vadd.s32 v5, v10  }
0x38e: {  	v5 =	vmul.f32 $2.546478990e+00, v27;
	v10 =	vld [tilespmem:s10+$0xFFFFFFF0];
	v27 =	vcvt.f32.s32 v23;
	v23 =	vadd.s32 v31, v11  }
0x38f: {  	v11 =	vmul.f32 $2.546478990e+00, v29;
	v31 =	vld [tilespmem:s10+$0x0];
	v29 =	vtrunc.f32 v24;
	v24 =	vadd.s32 v3, v15  }
0x390: {  	v3 =	vmul.f32 $2.546478990e+00, v30;
	v15 =	vld [tilespmem:s10+$0x10];
	v29 =	vcvt.f32.s32 v29;
	v30 =	vmul.u32 $0x9, v27  }
0x391: {  	v14 =	vtrunc.f32 v14;
	v27 =	vadd.s32 v8, v7;
	v28 =	vmul.f32 $2.546478990e+00, v28;
	v34 =	vld [tilespmem:s10+$0x20]  }
0x392: {  	v5 =	vtrunc.f32 v5;
	v7 =	vmul.f32 $2.546478990e+00, v33;
	v8 =	vld [tilespmem:s10+$0x30];
	v33 =	vadd.s32 v29, v30  }
0x393: {  	v11 =	vtrunc.f32 v11;
	v29 =	vadd.s32 v13, v2;
	v10 =	vmul.f32 $2.546478990e+00, v10;
	v35 =	vld [tilespmem:s10+$0x40]  }
0x394: {  	v2 =	vtrunc.f32 v3;
	v30 =	vadd.s32 v32, v6;
	v3 =	vmul.f32 $2.546478990e+00, v31;
	v13 =	vld [tilespmem:s10+$0x50]  }
0x395: {  	v6 =	vtrunc.f32 v28;
	v31 =	vadd.s32 v4, v12;
	v15 =	vmul.f32 $2.546478990e+00, v15;
	v32 =	vld [tilespmem:s10+$0x60]  }
0x396: {  	v28 =	vadd.s32 v9, v16;
	v7 =	vtrunc.f32 v7;
	v4 =	vld [tilespmem:s10+$0xFFFFFF80];
	v12 =	vmul.f32 $2.546478990e+00, v34  }
0x397: {  	v9 =	vtrunc.f32 v10;
	v8 =	vmul.f32 $2.546478990e+00, v8;
	v10 =	vld.idx.msk [tilespmem:v33+s0+$0x0], $0xffff  }
0x398: {  	v33 =	vtrunc.f32 v3;
	v16 =	vld [tilespmem:s20+$0xFFFFFF80];
	v3 =	vmul.f32 $2.546478990e+00, v35  }
0x399: {  	v15 =	vtrunc.f32 v15;
	v34 =	vld [tilespmem:s20+$0xFFFFFF90];
	v13 =	vmul.f32 $2.546478990e+00, v13  }
0x39a: {  	v12 =	vtrunc.f32 v12;
	v35 =	vld [tilespmem:s20+$0xFFFFFFA0];
	v32 =	vmul.f32 $2.546478990e+00, v32  }
0x39b: {  	v37 =	vtrunc.f32 v8;
	v4 =	vmul.f32 $2.546478990e+00, v4;
	v36 =	vld [tilespmem:s20+$0xFFFFFFB0]  }
0x39c: {  	s22 =	sadd.s32 $0x100, s22;
	v38 =	vtrunc.f32 v3;
	v39 =	vtrunc.f32 v13;
	v8 =	vld [tilespmem:s20+$0xFFFFFFC0]  }
0x39d: {  	v32 =	vtrunc.f32 v32;
	v3 =	vtrunc.f32 v4;
	v13 =	vld [tilespmem:s20+$0xFFFFFFD0];
	[tilespmem:s22+$0x70] =	vst v10  }
0x39e: {  	v16 =	vmul.f32 $2.546478990e+00, v16;
	v34 =	vmul.f32 $2.546478990e+00, v34;
	v10 =	vld [tilespmem:s20+$0xFFFFFFE0]  }
0x39f: {  	v3 =	vcvt.f32.s32 v3;
	v35 =	vmul.f32 $2.546478990e+00, v35;
	v40 =	vld [tilespmem:s20+$0xFFFFFFF0]  }
0x3a0: {  	v4 =	vcvt.f32.s32 v14;
	v36 =	vmul.f32 $2.546478990e+00, v36;
	v14 =	vld [tilespmem:s20+$0x0]  }
0x3a1: {  	v5 =	vcvt.f32.s32 v5;
	v3 =	vmul.u32 $0x9, v3;
	v41 =	vmul.f32 $2.546478990e+00, v8;
	v42 =	vld [tilespmem:s20+$0x10]  }
0x3a2: {  	v4 =	vmul.u32 $0x9, v4;
	v8 =	vcvt.f32.s32 v11;
	v43 =	vmul.f32 $2.546478990e+00, v13;
	v11 =	vld [tilespmem:s20+$0x20]  }
0x3a3: {  	v5 =	vmul.u32 $0x9, v5;
	v2 =	vcvt.f32.s32 v2;
	v44 =	vmul.f32 $2.546478990e+00, v10;
	v45 =	vld [tilespmem:s20+$0x30]  }
0x3a4: {  	v6 =	vcvt.f32.s32 v6;
	v8 =	vmul.u32 $0x9, v8;
	v40 =	vmul.f32 $2.546478990e+00, v40;
	v46 =	vld [tilespmem:s20+$0x40]  }
0x3a5: {  	v13 =	vmul.u32 $0x9, v2;
	v2 =	vcvt.f32.s32 v7;
	v47 =	vmul.f32 $2.546478990e+00, v14;
	v7 =	vld [tilespmem:s20+$0x50]  }
0x3a6: {  	v14 =	vmul.u32 $0x9, v6;
	v6 =	vcvt.f32.s32 v9;
	v42 =	vmul.f32 $2.546478990e+00, v42;
	v48 =	vld [tilespmem:s20+$0x60]  }
0x3a7: {  	v9 =	vmul.u32 $0x9, v2;
	v2 =	vcvt.f32.s32 v33;
	v49 =	vmul.f32 $2.546478990e+00, v11;
	v17 =	vld.idx.msk [tilespmem:v17+s0+$0x0], $0xffff  }
0x3a8: {  	v10 =	vmul.u32 $0x9, v6;
	v6 =	vcvt.f32.s32 v15;
	v45 =	vmul.f32 $2.546478990e+00, v45;
	v33 =	vld.idx.msk [tilespmem:v18+s0+$0x0], $0xffff  }
0x3a9: {  	v11 =	vmul.u32 $0x9, v2;
	v2 =	vcvt.f32.s32 v12;
	v46 =	vmul.f32 $2.546478990e+00, v46;
	v50 =	vld.idx.msk [tilespmem:v19+s0+$0x0], $0xffff  }
0x3aa: {  	v15 =	vmul.u32 $0x9, v6;
	v6 =	vcvt.f32.s32 v37;
	v37 =	vmul.f32 $2.546478990e+00, v7;
	v51 =	vld.idx.msk [tilespmem:v20+s0+$0x0], $0xffff  }
0x3ab: {  	v12 =	vcvt.f32.s32 v38;
	v7 =	vmul.u32 $0x9, v2;
	v38 =	vmul.f32 $2.546478990e+00, v48;
	v48 =	vld.idx.msk [tilespmem:v21+s0+$0x0], $0xffff  }
0x3ac: {  	v19 =	vcvt.f32.s32 v39;
	v20 =	vcvt.f32.s32 v32;
	v2 =	vmul.u32 $0x9, v6;
	v39 =	vld.idx.msk [tilespmem:v22+s0+$0x0], $0xffff  }
0x3ad: {  	v52 =	vtrunc.f32 v16;
	v53 =	vtrunc.f32 v34;
	v6 =	vmul.u32 $0x9, v12;
	[tilespmem:s8+$0xFFFFFF80] =	vst v17;
	v17 =	vld.idx.msk [tilespmem:v25+s0+$0x0], $0xffff  }
0x3ae: {  	v54 =	vtrunc.f32 v35;
	v18 =	vtrunc.f32 v36;
	v12 =	vmul.u32 $0x9, v19;
	[tilespmem:s8+$0xFFFFFF90] =	vst v33;
	v55 =	vld.idx.msk [tilespmem:v26+s0+$0x0], $0xffff  }
0x3af: {  	v34 =	vtrunc.f32 v41;
	v19 =	vtrunc.f32 v43;
	v16 =	vmul.u32 $0x9, v20;
	[tilespmem:s8+$0xFFFFFFA0] =	vst v50;
	v41 =	vld.idx.msk [tilespmem:v23+s0+$0x0], $0xffff  }
0x3b0: {  	v20 =	vtrunc.f32 v40;
	v33 =	vtrunc.f32 v44;
	[tilespmem:s8+$0xFFFFFFB0] =	vst v51;
	v36 =	vld.idx.msk [tilespmem:v24+s0+$0x0], $0xffff  }
.Ltmp6:
0x3b1: {  	v32 =	vtrunc.f32 v47;
	v21 =	vtrunc.f32 v42;
	[tilespmem:s8+$0xFFFFFFC0] =	vst v48;
	v35 =	vld.idx.msk [tilespmem:v27+s0+$0x0], $0xffff;
	(pc) =	sbr.rel @p0 .LBB2_11-.Ltmp6, $4  }
0x3b2: {  	v22 =	vtrunc.f32 v45;
	v26 =	vtrunc.f32 v49;
	[tilespmem:s8+$0xFFFFFFD0] =	vst v39;
	v27 =	vld.idx.msk [tilespmem:v29+s0+$0x0], $0xffff  }
0x3b3: {  	v25 =	vtrunc.f32 v46;
	v24 =	vtrunc.f32 v37;
	[tilespmem:s8+$0xFFFFFFE0] =	vst v17;
	v29 =	vld.idx.msk [tilespmem:v30+s0+$0x0], $0xffff  }
0x3b4: {  	v23 =	vtrunc.f32 v38;
	v17 =	vcvt.f32.s32 v52;
	[tilespmem:s8+$0xFFFFFFF0] =	vst v55;
	v30 =	vld.idx.msk [tilespmem:v31+s0+$0x0], $0xffff  }
0x3b5: {  	s10 =	sadd.s32 $0x100, s10;
	v37 =	vcvt.f32.s32 v53;
	v31 =	vcvt.f32.s32 v54;
	[tilespmem:s8+$0x0] =	vst v41;
	v28 =	vld.idx.msk [tilespmem:v28+s0+$0x0], $0xffff  }
0x3b6: {  	v3 =	vadd.s32 v17, v3  }
0x3b7: {  	v52 =	vcvt.f32.s32 v18;
	v4 =	vadd.s32 v37, v4  }
0x3b8: {  	v53 =	vcvt.f32.s32 v34;
	v5 =	vadd.s32 v31, v5  }
0x3b9: {  	v19 =	vcvt.f32.s32 v19;
	v8 =	vadd.s32 v52, v8  }
0x3ba: {  	[tilespmem:s8+$0x10] =	vst v36;
	v54 =	vcvt.f32.s32 v33;
	v13 =	vadd.s32 v53, v13  }
0x3bb: {  	[tilespmem:s8+$0x20] =	vst v35;
	v55 =	vcvt.f32.s32 v20;
	v14 =	vadd.s32 v19, v14;
	v3 =	vld.idx.msk [tilespmem:v3+s0+$0x0], $0xffff  }
0x3bc: {  	v56 =	vcvt.f32.s32 v32;
	[tilespmem:s8+$0x30] =	vst v27;
	v9 =	vadd.s32 v54, v9;
	v4 =	vld.idx.msk [tilespmem:v4+s0+$0x0], $0xffff  }
0x3bd: {  	v57 =	vcvt.f32.s32 v21;
	[tilespmem:s8+$0x40] =	vst v29;
	v10 =	vadd.s32 v55, v10;
	v5 =	vld.idx.msk [tilespmem:v5+s0+$0x0], $0xffff  }
0x3be: {  	v58 =	vcvt.f32.s32 v26;
	v11 =	vadd.s32 v56, v11;
	[tilespmem:s8+$0x50] =	vst v30;
	v8 =	vld.idx.msk [tilespmem:v8+s0+$0x0], $0xffff  }
0x3bf: {  	v59 =	vcvt.f32.s32 v22;
	v15 =	vadd.s32 v57, v15;
	[tilespmem:s8+$0x60] =	vst v28;
	v13 =	vld.idx.msk [tilespmem:v13+s0+$0x0], $0xffff  }
0x3c0: {  	v60 =	vcvt.f32.s32 v25;
	v7 =	vadd.s32 v58, v7;
	v14 =	vld.idx.msk [tilespmem:v14+s0+$0x0], $0xffff;
	[tilespmem:s22+$0xFFFFFF80] =	vst v3  }
0x3c1: {  	v61 =	vcvt.f32.s32 v23;
	v2 =	vadd.s32 v59, v2;
	v9 =	vld.idx.msk [tilespmem:v9+s0+$0x0], $0xffff;
	[tilespmem:s22+$0xFFFFFF90] =	vst v4  }
0x3c2: {  	v6 =	vadd.s32 v60, v6;
	v10 =	vld.idx.msk [tilespmem:v10+s0+$0x0], $0xffff;
	v3 =	vcvt.f32.s32 v24;
	[tilespmem:s22+$0xFFFFFFA0] =	vst v5  }
0x3c3: {  	v62 =	vld.idx.msk [tilespmem:v11+s0+$0x0], $0xffff;
	v4 =	vadd.s32 v61, v16;
	[tilespmem:s22+$0xFFFFFFB0] =	vst v8  }
0x3c4: {  	v63 =	vld.idx.msk [tilespmem:v15+s0+$0x0], $0xffff;
	v3 =	vadd.s32 v3, v12;
	[tilespmem:s22+$0xFFFFFFC0] =	vst v13  }
0x3c5: {  	v7 =	vld.idx.msk [tilespmem:v7+s0+$0x0], $0xffff;
	[tilespmem:s22+$0xFFFFFFD0] =	vst v14  }
0x3c6: {  	v2 =	vld.idx.msk [tilespmem:v2+s0+$0x0], $0xffff;
	[tilespmem:s22+$0xFFFFFFE0] =	vst v9  }
0x3c7: {  	v6 =	vld.idx.msk [tilespmem:v6+s0+$0x0], $0xffff;
	[tilespmem:s22+$0xFFFFFFF0] =	vst v10  }
0x3c8: {  	[tilespmem:s22+$0x0] =	vst v62;
	v4 =	vld.idx.msk [tilespmem:v4+s0+$0x0], $0xffff  }
0x3c9: {  	[tilespmem:s22+$0x10] =	vst v63;
	v3 =	vld.idx.msk [tilespmem:v3+s0+$0x0], $0xffff  }
0x3ca: {  	[tilespmem:s22+$0x20] =	vst v7  }
.Ltmp7:
0x3cb: {  	[tilespmem:s22+$0x30] =	vst v2;
	(pc) =	sbr.rel @p1 .LBB2_14-.Ltmp7, $4  }
0x3cc: {  	[tilespmem:s22+$0x40] =	vst v6  }
0x3cd: {  	[tilespmem:s22+$0x60] =	vst v4  }
0x3ce: {  	[tilespmem:s22+$0x50] =	vst v3;
	s22 =	sadd.s32 $0xC00, s15  }
0x3cf: {  	[hbm4b:s22+s6] =	stream.linear.scatter [tilespmem:s28], [sflag:$0x8], $0x2000, $0x38;
	[tilespmem:$0x18180] =	vst v63  }
0x3d0: {  	s8 =	sadd.s32 s14, s19  }
.Ltmp8:
0x3d1: {  	s8 =	sshrl.u32 s8, $0x3;
	(pc) =	sbr.rel .LBB2_4-.Ltmp8, $4  }
0x3d2: {  	s9 =	sadd.s32 s1, s8  }
0x3d3: {  	[tilespmem:s29], [sflag:$0x4] =	stream.linear.gather [hbm4b:s9+s6], $0x2000, $0x38;
	[tilespmem:$0x18180] =	vst v63  }
0x3d4: {  	s13 =	sadd.s32 $0x1, s13;
	s8 =	sadd.s32 s2, s8  }
0x3d5: {  	[tilespmem:s30], [sflag:$0x4] =	stream.linear.gather [hbm4b:s8+s6], $0x2000, $0x38;
	[tilespmem:$0x18180] =	vst v63  }
.LBB2_15:
0x3d6: {  	_ =	sfence.sel $0x180000  }
0x3d7: {  	[bflag:$0x0] =	sbarrier.arrive $0xFFFF  }
0x3d8: {  	_ =	strace $0x90000047  }
0x3d9: {  	s0 =	stileid.u32;
	[bflag:$0x2] =	sbarrier.arrive $0xFFFF  }
0x3da: {  	p0 =	sne.s32 s0, $0x0;
	s0 =	rddreg [dreg:$0x4]  }
0x3db: {  	s0 =	sadd.s32 @!p0 $0x100000, s0  }
0x3dc: {  	[sflag:s0] =	ssyncadd.tile.s32 @!p0 $0x1;
	_ =	shalt  }
.Lfunc_end2:
_tile_overlayer_lowered:
.L_overlay_start_2:
0x3dd: {  	(tag) =	ssettag $0x2  }
0x3de: {  	s0 =	rddreg [dreg:$0x0];
	s2 =	stileid.u32  }
0x3df: {  	s1 =	rddreg [dreg:$0x1];
	p0 =	sne.s32 s2, $0x0  }
0x3e0: {  	s3 =	rddreg [dreg:$0x2];
	[bflag:$0x3] =	sbarrier.arrive $0xFFFF;
	s2 =	simm.s32 @!p0 $0x1C09  }
0x3e1: {  	[timem:s3], [sflag:s2] =	dma.local @!p0 [hbm:s0], s1  }
0x3e2: {  	s0 =	simm.s32 @!p0 $0x9  }
0x3e3: {  	_ =	swait.ge @!p0 [sflag:s0], s1  }
0x3e4: {  	s1 =	ssub.s32 @!p0 $0x0, s1;
	[sflag:s0] =	ssyncset.done @!p0 $0x0  }
0x3e5: {  	[sflag:s0] =	ssyncadd.s32 @!p0 s1  }
0x3e6: {  	[bflag:$0x3] =	sbarrier.arrive $0xFFFF  }
0x3e7: {  	_ =	shalt  }

</sc_bundles>
